<compile_context>
chip_gen: v7x
topology: tpu7x:2x2x1
jax: 0.10.2.dev20260603
libtpu: 0.0.44.dev20260713+nightly
codegen_flags: <defaults>
</compile_context>

<pallas_src>
import functools

import jax
import jax.numpy as jnp
from jax import lax
from jax.experimental import pallas as pl
from jax.experimental.pallas import tpu as pltpu
from jax.experimental.pallas import tpu_sc as plsc

_NC, _NS = 2, 16
_NW = _NC * _NS
_BUCKET_BITS = 15
_WIN = 256
_WIN_BITS = 8
_DEPTH = 4
_SUB = 4
_RING = 64
_POS_BITS = 14


def _make_kernel(B, V, D):
  Vmain = (V // 128) * 128
  nwin_max = (1 << _BUCKET_BITS) >> _WIN_BITS
  mesh = plsc.VectorSubcoreMesh(core_axis_name="c", subcore_axis_name="s")

  @functools.partial(
      pl.kernel,
      mesh=mesh,
      out_type=jax.ShapeDtypeStruct((B * D,), jnp.float32),
      compiler_params=pltpu.CompilerParams(
          needs_layout_passes=False, disable_bounds_checks=True),
      scratch_types=[
          pltpu.VMEM((4096,), jnp.int32),
          pltpu.VMEM((B + 16,), jnp.int32),
          pltpu.VMEM((B + 16,), jnp.int32),
          pltpu.VMEM((nwin_max + 16,), jnp.int32),
          pltpu.VMEM((nwin_max + 16,), jnp.int32),
          pltpu.VMEM((nwin_max + 16,), jnp.int32),
          pltpu.VMEM((_DEPTH, D, _WIN), jnp.float32),
          pltpu.VMEM((D, 128), jnp.float32),
          pltpu.VMEM((_RING, D), jnp.float32),
          pltpu.SemaphoreType.DMA,
          pltpu.SemaphoreType.DMA,
      ],
  )
  def k(idx_hbm, tabT_hbm, out_hbm,
        idx_c, plist, slist, whist, wstart, wcur, panel, tailp, stage,
        sem_p, sem_o):
    wid = lax.axis_index("s") * _NC + lax.axis_index("c")
    base = wid << _BUCKET_BITS
    iota = lax.iota(jnp.int32, 16)
    zeros = jnp.zeros((16,), jnp.int32)
    lane0 = iota == 0

    def bucket_chunk(chunk, cnt0):
      def bucket_body(g, cnt):
        vg = idx_c[pl.ds(g * 16, 16)]
        m = (vg >> _BUCKET_BITS) == wid
        mi = m.astype(jnp.int32)
        ex = plsc.cumsum(mi) - mi
        slots = ex + cnt
        pos = chunk * 4096 + g * 16 + iota
        packed = ((vg - base) << _POS_BITS) | pos
        plsc.store_scatter(plist, [slots], packed, mask=m)
        return cnt + jnp.sum(mi)
      return lax.fori_loop(0, 4096 // 16, bucket_body, cnt0)

    cnt = jnp.int32(0)
    for chunk in range(B // 4096):
      pltpu.sync_copy(idx_hbm.at[pl.ds(chunk * 4096, 4096)], idx_c)
      cnt = bucket_chunk(chunk, cnt)

    def lane_extract(vec, l):
      return jnp.sum(jnp.where(iota == l, vec, 0))

    def list_entry(ref, j):
      vg = ref[pl.ds((j >> 4) * 16, 16)]
      return lane_extract(vg, j & 15)

    for z in range((nwin_max + 16) // 16):
      whist[pl.ds(z * 16, 16)] = zeros

    def hist_body(j, _):
      pk = list_entry(plist, j)
      w_spl = lax.broadcast(pk >> (_POS_BITS + _WIN_BITS), (16,))
      c = plsc.load_gather(whist, [w_spl])
      plsc.store_scatter(whist, [w_spl], c + 1, mask=lane0)
      return 0
    lax.fori_loop(0, cnt, hist_body, 0)

    def pfx_body(z, run):
      h = whist[pl.ds(z * 16, 16)]
      ex = plsc.cumsum(h) - h + run
      wstart[pl.ds(z * 16, 16)] = ex
      wcur[pl.ds(z * 16, 16)] = ex
      return run + jnp.sum(h)
    lax.fori_loop(0, (nwin_max + 16) // 16, pfx_body, jnp.int32(0))

    def place_body(j, _):
      pk = list_entry(plist, j)
      w_spl = lax.broadcast(pk >> (_POS_BITS + _WIN_BITS), (16,))
      s = plsc.load_gather(wcur, [w_spl])
      plsc.store_scatter(slist, [s], lax.broadcast(pk, (16,)), mask=lane0)
      plsc.store_scatter(wcur, [w_spl], s + 1, mask=lane0)
      return 0
    lax.fori_loop(0, cnt, place_body, 0)

    def win_range(w):
      w_spl = lax.broadcast(w, (16,))
      st = lane_extract(plsc.load_gather(wstart, [w_spl]), 0)
      ct = lane_extract(plsc.load_gather(whist, [w_spl]), 0)
      return st, ct

    def extract_entry(j, outcnt, waits, from_tail, buf=None):
      pk = list_entry(slist, j)
      vloc = pk >> _POS_BITS
      p_s = pk & ((1 << _POS_BITS) - 1)
      slot = outcnt & (_RING - 1)
      if from_tail:
        c_spl = lax.broadcast(vloc - (Vmain - base), (16,))
        for kk in range(D // 16):
          val = plsc.load_gather(tailp, [iota + 16 * kk, c_spl])
          stage[slot, pl.ds(kk * 16, 16)] = val
      else:
        v_spl = lax.broadcast(vloc & (_WIN - 1), (16,))
        b_spl = lax.broadcast(buf, (16,))
        for kk in range(D // 16):
          val = plsc.load_gather(
              panel, [b_spl, iota + 16 * kk, v_spl])
          stage[slot, pl.ds(kk * 16, 16)] = val
      pltpu.async_copy(stage.at[slot], out_hbm.at[pl.ds(p_s * D, D)], sem_o)
      outcnt = outcnt + 1
      do_wait = outcnt > _RING

      @pl.when(do_wait)
      def _():
        pltpu.make_async_copy(
            out_hbm.at[pl.ds(0, D)], stage.at[0], sem_o).wait()

      waits = waits + jnp.where(do_wait, 1, 0).astype(jnp.int32)
      return outcnt, waits

    rem = jnp.maximum(Vmain - base, 0)
    nwin = jnp.minimum(rem >> _WIN_BITS, nwin_max)

    def fire(win):
      off = pl.multiple_of(base + win * _WIN, _WIN)
      buf = win & (_DEPTH - 1)
      pltpu.async_copy(
          tabT_hbm.at[:, pl.ds(off, _WIN)], panel.at[buf], sem_p)

    for pre in range(_DEPTH - 1):
      @pl.when(nwin > pre)
      def _(pre=pre):
        fire(pre)

    def win_body(win, carry):
      @pl.when(win + (_DEPTH - 1) < nwin)
      def _():
        fire(win + (_DEPTH - 1))

      buf = win & (_DEPTH - 1)
      pltpu.make_async_copy(
          tabT_hbm.at[:, pl.ds(0, _WIN)], panel.at[buf], sem_p).wait()
      st, ct = win_range(win)

      def ex_body(t, c):
        return extract_entry(st + t, c[0], c[1], False, buf)

      return lax.fori_loop(0, ct, ex_body, carry)

    carry = lax.fori_loop(0, nwin, win_body,
                          (jnp.int32(0), jnp.int32(0)))

    is_tail_owner = (Vmain >> _BUCKET_BITS) == wid

    @pl.when(is_tail_owner)
    def _():
      off_tail = pl.multiple_of(Vmain + wid * 0, 128)
      pltpu.sync_copy(tabT_hbm.at[:, pl.ds(off_tail, 128)], tailp)

    st_t, ct_t = win_range(nwin)

    def tail_body(t, c):
      return extract_entry(st_t + t, c[0], c[1], True)

    carry = lax.fori_loop(0, ct_t, tail_body, carry)

    outcnt, waits = carry

    def drain(_, x):
      pltpu.make_async_copy(
          out_hbm.at[pl.ds(0, D)], stage.at[0], sem_o).wait()
      return x

    lax.fori_loop(0, outcnt - waits, drain, 0)

  return k


def kernel(input, table):
  B = input.shape[0]
  V, D = table.shape
  assert D == 64 and B % 4096 == 0 and B <= (1 << _POS_BITS)
  tabT = table.T
  out = _make_kernel(B, V, D)(input, tabT)
  return out.reshape((1, -1))

# --- scband reference (transcript-rebuilt; emitter-appended) ---
"""Pipeline reference for scband-embeds-22488448762353 (READ-ONLY COPY).

The authoritative reference and input builder live on the scoring server;
editing this copy changes nothing except your own understanding.
"""

import jax, jax.numpy as jnp
import numpy as np

VOCAB = 1000000
EMBED = 64
BATCH = 16384

def setup_inputs(seed: int = 0) -> dict:
    key = jax.random.key(seed)
    k_idx, k_tab = jax.random.split(key)
    idx = jax.random.randint(k_idx, (BATCH,), 0, VOCAB, dtype=jnp.int64 if jax.config.jax_enable_x64 else jnp.int32).astype(jnp.int32)
    table = jax.random.normal(k_tab, (VOCAB, EMBED), dtype=jnp.float32)
    return {"input": idx, "table": table}

def reference(input, table):
    # nn.Embedding lookup: gather rows of table, then flatten to (1, -1)
    embedding = jnp.take(table, input, axis=0)
    embedding = embedding.reshape((1, -1))
    return embedding

if __name__ == "__main__":
    import jax
    _d = setup_inputs()
    print(jax.jit(kernel)(*tuple(_d.values())))

</pallas_src>

<mosaic_0001>
#map = affine_map<(d0, d1) -> (0)>
#map1 = affine_map<(d0, d1) -> (0, 0)>
module attributes {stable_mosaic.version = 14 : i64} {
  func.func @k(%arg0: i32, %arg1: i32, %arg2: memref<16384xi32, #tpu.memory_space<hbm>>, %arg3: memref<64x1000000xf32, #tpu.memory_space<hbm>>, %arg4: memref<1048576xf32, #tpu.memory_space<hbm>>, %arg5: memref<4096xi32, #tpu.memory_space<vmem>>, %arg6: memref<16400xi32, #tpu.memory_space<vmem>>, %arg7: memref<16400xi32, #tpu.memory_space<vmem>>, %arg8: memref<144xi32, #tpu.memory_space<vmem>>, %arg9: memref<144xi32, #tpu.memory_space<vmem>>, %arg10: memref<144xi32, #tpu.memory_space<vmem>>, %arg11: memref<4x64x256xf32, #tpu.memory_space<vmem>>, %arg12: memref<64x128xf32, #tpu.memory_space<vmem>>, %arg13: memref<64x64xf32, #tpu.memory_space<vmem>>, %arg14: memref<!tpu.dma_semaphore, #tpu.memory_space<semaphore_mem>>, %arg15: memref<!tpu.dma_semaphore, #tpu.memory_space<semaphore_mem>>) attributes {dimension_semantics = [#tpu.dimension_semantics<core_parallel>, #tpu.dimension_semantics<subcore_parallel>], iteration_bounds = array<i64: 2, 16>, scalar_prefetch = 0 : i64, scratch_operands = 11 : i64, tpu.core_type = #tpu.core_type<sc_vector_subcore>, window_params = [{transform_indices = #map}, {transform_indices = #map1}, {transform_indices = #map}]} {
    %mul3A = arith.constant 2 : i32
    %mul3A_0 = arith.muli %arg1, %mul3A : i32
    %add3A = arith.addi %mul3A_0, %arg0 : i32
    %shift_left3A = arith.constant 15 : i32
    %shift_left3A_1 = arith.shli %add3A, %shift_left3A : i32
    %iota3A = tpu.iota {dimensions = array<i32: 0>} : vector<16xi32>
    %broadcast_in_dim3A = arith.constant 0 : i32
    %broadcast_in_dim3A_2 = vector.broadcast %broadcast_in_dim3A : i32 to vector<16xi32>
    %eq3A = arith.constant 0 : i32
    %eq3A_3 = vector.broadcast %eq3A : i32 to vector<16xi32>
    %eq3A_4 = arith.cmpi eq, %iota3A, %eq3A_3 : vector<16xi32>
    "tpu.region"() ({
      %run_scoped3A = tpu.sem_alloc : memref<!tpu.dma_semaphore, #tpu.memory_space<semaphore_mem>>
      %dma_start3A = arith.constant 0 : i32
      %dma_start3A_151 = tpu.memref_slice %arg2[%dma_start3A] : memref<16384xi32, #tpu.memory_space<hbm>> -> memref<4096xi32, #tpu.memory_space<hbm>>
      %dma_start3A_152 = arith.constant 0 : i32
      %dma_start3A_153 = tpu.memref_slice %arg2[%dma_start3A_152] : memref<16384xi32, #tpu.memory_space<hbm>> -> memref<4096xi32, #tpu.memory_space<hbm>>
      tpu.enqueue_dma source(%dma_start3A_153 : memref<4096xi32, #tpu.memory_space<hbm>>) target(%arg5 : memref<4096xi32, #tpu.memory_space<vmem>>) target_semaphore(%run_scoped3A : memref<!tpu.dma_semaphore, #tpu.memory_space<semaphore_mem>>)
      %dma_wait3A = arith.constant 0 : i32
      %dma_wait3A_154 = tpu.memref_slice %arg2[%dma_wait3A] : memref<16384xi32, #tpu.memory_space<hbm>> -> memref<4096xi32, #tpu.memory_space<hbm>>
      %dma_wait3A_155 = arith.constant 0 : i32
      %dma_wait3A_156 = tpu.memref_slice %arg2[%dma_wait3A_155] : memref<16384xi32, #tpu.memory_space<hbm>> -> memref<4096xi32, #tpu.memory_space<hbm>>
      tpu.wait_dma2 semaphore(%run_scoped3A : memref<!tpu.dma_semaphore, #tpu.memory_space<semaphore_mem>>) src(%dma_wait3A_156 : memref<4096xi32, #tpu.memory_space<hbm>>) dst(%arg5 : memref<4096xi32, #tpu.memory_space<vmem>>)
      tpu.yield
    }) : () -> ()
    %scan3A = arith.constant 0 : i32
    %scan3A_5 = arith.constant 0 : i32
    %scan3A_6 = arith.constant 256 : i32
    %scan3A_7 = arith.addi %scan3A_5, %scan3A_6 : i32
    %scan3A_8 = arith.constant 1 : i32
    %scan3A_9 = scf.for %scan3A_151 = %scan3A_5 to %scan3A_7 step %scan3A_8 iter_args(%scan3A_152 = %scan3A) -> (i32)  : i32 {
      %mul3A_153 = arith.constant 16 : i32
      %mul3A_154 = arith.muli %scan3A_151, %mul3A_153 : i32
      %get3A = arith.index_cast %mul3A_154 : i32 to index
      %get3A_155 = tpu.vector_load %arg5[%get3A] {strides = array<i32>} : memref<4096xi32, #tpu.memory_space<vmem>>, vector<16xi32>,
      %shift_right_arithmetic3A_156 = arith.constant 15 : i32
      %shift_right_arithmetic3A_157 = vector.broadcast %shift_right_arithmetic3A_156 : i32 to vector<16xi32>
      %shift_right_arithmetic3A_158 = arith.shrsi %get3A_155, %shift_right_arithmetic3A_157 : vector<16xi32>
      %eq3A_159 = vector.broadcast %add3A : i32 to vector<16xi32>
      %eq3A_160 = arith.cmpi eq, %shift_right_arithmetic3A_158, %eq3A_159 : vector<16xi32>
      %convert_element_type3A_161 = arith.extui %eq3A_160 : vector<16xi1> to vector<16xi32>
      %broadcast_in_dim3A_162 = arith.constant true
      %broadcast_in_dim3A_163 = vector.broadcast %broadcast_in_dim3A_162 : i1 to vector<16xi1>
      %masked_cumsum3A = tpu.scan <sum>, %convert_element_type3A_161 masked %broadcast_in_dim3A_163 : vector<16xi32>, vector<16xi1> -> vector<16xi32>
      %sub3A_164 = arith.subi %masked_cumsum3A, %convert_element_type3A_161 : vector<16xi32>
      %add3A_165 = vector.broadcast %scan3A_152 : i32 to vector<16xi32>
      %add3A_166 = arith.addi %sub3A_164, %add3A_165 : vector<16xi32>
      %mul3A_167 = arith.constant 16 : i32
      %mul3A_168 = arith.muli %scan3A_151, %mul3A_167 : i32
      %add3A_169 = arith.constant 0 : i32
      %add3A_170 = arith.addi %add3A_169, %mul3A_168 : i32
      %add3A_171 = vector.broadcast %add3A_170 : i32 to vector<16xi32>
      %add3A_172 = arith.addi %add3A_171, %iota3A : vector<16xi32>
      %sub3A_173 = vector.broadcast %shift_left3A_1 : i32 to vector<16xi32>
      %sub3A_174 = arith.subi %get3A_155, %sub3A_173 : vector<16xi32>
      %shift_left3A_175 = arith.constant 14 : i32
      %shift_left3A_176 = vector.broadcast %shift_left3A_175 : i32 to vector<16xi32>
      %shift_left3A_177 = arith.shli %sub3A_174, %shift_left3A_176 : vector<16xi32>
      %or3A = arith.ori %shift_left3A_177, %add3A_172 : vector<16xi32>
      tpu.vector_store_idx %arg6[%add3A_166], %or3A masked %eq3A_160 : memref<16400xi32, #tpu.memory_space<vmem>>[vector<16xi32>], vector<16xi32>, vector<16xi1>
      %reduce_sum3A_178 = arith.constant true
      %reduce_sum3A_179 = vector.broadcast %reduce_sum3A_178 : i1 to vector<16xi1>
      %reduce_sum3A_180 = tpu.scan <sum>, %convert_element_type3A_161 masked %reduce_sum3A_179 : vector<16xi32>, vector<16xi1> -> vector<16xi32>
      %reduce_sum3A_181 = vector.extract %reduce_sum3A_180[15] : i32 from vector<16xi32>
      %add3A_182 = arith.addi %scan3A_152, %reduce_sum3A_181 : i32
      scf.yield %add3A_182 : i32
    }
    %scan3A_10 = arith.constant 256 : i32
    "tpu.region"() ({
      %run_scoped3A = tpu.sem_alloc : memref<!tpu.dma_semaphore, #tpu.memory_space<semaphore_mem>>
      %dma_start3A = arith.constant 4096 : i32
      %dma_start3A_151 = tpu.memref_slice %arg2[%dma_start3A] : memref<16384xi32, #tpu.memory_space<hbm>> -> memref<4096xi32, #tpu.memory_space<hbm>>
      %dma_start3A_152 = arith.constant 4096 : i32
      %dma_start3A_153 = tpu.memref_slice %arg2[%dma_start3A_152] : memref<16384xi32, #tpu.memory_space<hbm>> -> memref<4096xi32, #tpu.memory_space<hbm>>
      tpu.enqueue_dma source(%dma_start3A_153 : memref<4096xi32, #tpu.memory_space<hbm>>) target(%arg5 : memref<4096xi32, #tpu.memory_space<vmem>>) target_semaphore(%run_scoped3A : memref<!tpu.dma_semaphore, #tpu.memory_space<semaphore_mem>>)
      %dma_wait3A = arith.constant 4096 : i32
      %dma_wait3A_154 = tpu.memref_slice %arg2[%dma_wait3A] : memref<16384xi32, #tpu.memory_space<hbm>> -> memref<4096xi32, #tpu.memory_space<hbm>>
      %dma_wait3A_155 = arith.constant 4096 : i32
      %dma_wait3A_156 = tpu.memref_slice %arg2[%dma_wait3A_155] : memref<16384xi32, #tpu.memory_space<hbm>> -> memref<4096xi32, #tpu.memory_space<hbm>>
      tpu.wait_dma2 semaphore(%run_scoped3A : memref<!tpu.dma_semaphore, #tpu.memory_space<semaphore_mem>>) src(%dma_wait3A_156 : memref<4096xi32, #tpu.memory_space<hbm>>) dst(%arg5 : memref<4096xi32, #tpu.memory_space<vmem>>)
      tpu.yield
    }) : () -> ()
    %scan3A_11 = arith.constant 0 : i32
    %scan3A_12 = arith.constant 256 : i32
    %scan3A_13 = arith.addi %scan3A_11, %scan3A_12 : i32
    %scan3A_14 = arith.constant 1 : i32
    %scan3A_15 = scf.for %scan3A_151 = %scan3A_11 to %scan3A_13 step %scan3A_14 iter_args(%scan3A_152 = %scan3A_9) -> (i32)  : i32 {
      %mul3A_153 = arith.constant 16 : i32
      %mul3A_154 = arith.muli %scan3A_151, %mul3A_153 : i32
      %get3A = arith.index_cast %mul3A_154 : i32 to index
      %get3A_155 = tpu.vector_load %arg5[%get3A] {strides = array<i32>} : memref<4096xi32, #tpu.memory_space<vmem>>, vector<16xi32>,
      %shift_right_arithmetic3A_156 = arith.constant 15 : i32
      %shift_right_arithmetic3A_157 = vector.broadcast %shift_right_arithmetic3A_156 : i32 to vector<16xi32>
      %shift_right_arithmetic3A_158 = arith.shrsi %get3A_155, %shift_right_arithmetic3A_157 : vector<16xi32>
      %eq3A_159 = vector.broadcast %add3A : i32 to vector<16xi32>
      %eq3A_160 = arith.cmpi eq, %shift_right_arithmetic3A_158, %eq3A_159 : vector<16xi32>
      %convert_element_type3A_161 = arith.extui %eq3A_160 : vector<16xi1> to vector<16xi32>
      %broadcast_in_dim3A_162 = arith.constant true
      %broadcast_in_dim3A_163 = vector.broadcast %broadcast_in_dim3A_162 : i1 to vector<16xi1>
      %masked_cumsum3A = tpu.scan <sum>, %convert_element_type3A_161 masked %broadcast_in_dim3A_163 : vector<16xi32>, vector<16xi1> -> vector<16xi32>
      %sub3A_164 = arith.subi %masked_cumsum3A, %convert_element_type3A_161 : vector<16xi32>
      %add3A_165 = vector.broadcast %scan3A_152 : i32 to vector<16xi32>
      %add3A_166 = arith.addi %sub3A_164, %add3A_165 : vector<16xi32>
      %mul3A_167 = arith.constant 16 : i32
      %mul3A_168 = arith.muli %scan3A_151, %mul3A_167 : i32
      %add3A_169 = arith.constant 4096 : i32
      %add3A_170 = arith.addi %add3A_169, %mul3A_168 : i32
      %add3A_171 = vector.broadcast %add3A_170 : i32 to vector<16xi32>
      %add3A_172 = arith.addi %add3A_171, %iota3A : vector<16xi32>
      %sub3A_173 = vector.broadcast %shift_left3A_1 : i32 to vector<16xi32>
      %sub3A_174 = arith.subi %get3A_155, %sub3A_173 : vector<16xi32>
      %shift_left3A_175 = arith.constant 14 : i32
      %shift_left3A_176 = vector.broadcast %shift_left3A_175 : i32 to vector<16xi32>
      %shift_left3A_177 = arith.shli %sub3A_174, %shift_left3A_176 : vector<16xi32>
      %or3A = arith.ori %shift_left3A_177, %add3A_172 : vector<16xi32>
      tpu.vector_store_idx %arg6[%add3A_166], %or3A masked %eq3A_160 : memref<16400xi32, #tpu.memory_space<vmem>>[vector<16xi32>], vector<16xi32>, vector<16xi1>
      %reduce_sum3A_178 = arith.constant true
      %reduce_sum3A_179 = vector.broadcast %reduce_sum3A_178 : i1 to vector<16xi1>
      %reduce_sum3A_180 = tpu.scan <sum>, %convert_element_type3A_161 masked %reduce_sum3A_179 : vector<16xi32>, vector<16xi1> -> vector<16xi32>
      %reduce_sum3A_181 = vector.extract %reduce_sum3A_180[15] : i32 from vector<16xi32>
      %add3A_182 = arith.addi %scan3A_152, %reduce_sum3A_181 : i32
      scf.yield %add3A_182 : i32
    }
    %scan3A_16 = arith.constant 256 : i32
    "tpu.region"() ({
      %run_scoped3A = tpu.sem_alloc : memref<!tpu.dma_semaphore, #tpu.memory_space<semaphore_mem>>
      %dma_start3A = arith.constant 8192 : i32
      %dma_start3A_151 = tpu.memref_slice %arg2[%dma_start3A] : memref<16384xi32, #tpu.memory_space<hbm>> -> memref<4096xi32, #tpu.memory_space<hbm>>
      %dma_start3A_152 = arith.constant 8192 : i32
      %dma_start3A_153 = tpu.memref_slice %arg2[%dma_start3A_152] : memref<16384xi32, #tpu.memory_space<hbm>> -> memref<4096xi32, #tpu.memory_space<hbm>>
      tpu.enqueue_dma source(%dma_start3A_153 : memref<4096xi32, #tpu.memory_space<hbm>>) target(%arg5 : memref<4096xi32, #tpu.memory_space<vmem>>) target_semaphore(%run_scoped3A : memref<!tpu.dma_semaphore, #tpu.memory_space<semaphore_mem>>)
      %dma_wait3A = arith.constant 8192 : i32
      %dma_wait3A_154 = tpu.memref_slice %arg2[%dma_wait3A] : memref<16384xi32, #tpu.memory_space<hbm>> -> memref<4096xi32, #tpu.memory_space<hbm>>
      %dma_wait3A_155 = arith.constant 8192 : i32
      %dma_wait3A_156 = tpu.memref_slice %arg2[%dma_wait3A_155] : memref<16384xi32, #tpu.memory_space<hbm>> -> memref<4096xi32, #tpu.memory_space<hbm>>
      tpu.wait_dma2 semaphore(%run_scoped3A : memref<!tpu.dma_semaphore, #tpu.memory_space<semaphore_mem>>) src(%dma_wait3A_156 : memref<4096xi32, #tpu.memory_space<hbm>>) dst(%arg5 : memref<4096xi32, #tpu.memory_space<vmem>>)
      tpu.yield
    }) : () -> ()
    %scan3A_17 = arith.constant 0 : i32
    %scan3A_18 = arith.constant 256 : i32
    %scan3A_19 = arith.addi %scan3A_17, %scan3A_18 : i32
    %scan3A_20 = arith.constant 1 : i32
    %scan3A_21 = scf.for %scan3A_151 = %scan3A_17 to %scan3A_19 step %scan3A_20 iter_args(%scan3A_152 = %scan3A_15) -> (i32)  : i32 {
      %mul3A_153 = arith.constant 16 : i32
      %mul3A_154 = arith.muli %scan3A_151, %mul3A_153 : i32
      %get3A = arith.index_cast %mul3A_154 : i32 to index
      %get3A_155 = tpu.vector_load %arg5[%get3A] {strides = array<i32>} : memref<4096xi32, #tpu.memory_space<vmem>>, vector<16xi32>,
      %shift_right_arithmetic3A_156 = arith.constant 15 : i32
      %shift_right_arithmetic3A_157 = vector.broadcast %shift_right_arithmetic3A_156 : i32 to vector<16xi32>
      %shift_right_arithmetic3A_158 = arith.shrsi %get3A_155, %shift_right_arithmetic3A_157 : vector<16xi32>
      %eq3A_159 = vector.broadcast %add3A : i32 to vector<16xi32>
      %eq3A_160 = arith.cmpi eq, %shift_right_arithmetic3A_158, %eq3A_159 : vector<16xi32>
      %convert_element_type3A_161 = arith.extui %eq3A_160 : vector<16xi1> to vector<16xi32>
      %broadcast_in_dim3A_162 = arith.constant true
      %broadcast_in_dim3A_163 = vector.broadcast %broadcast_in_dim3A_162 : i1 to vector<16xi1>
      %masked_cumsum3A = tpu.scan <sum>, %convert_element_type3A_161 masked %broadcast_in_dim3A_163 : vector<16xi32>, vector<16xi1> -> vector<16xi32>
      %sub3A_164 = arith.subi %masked_cumsum3A, %convert_element_type3A_161 : vector<16xi32>
      %add3A_165 = vector.broadcast %scan3A_152 : i32 to vector<16xi32>
      %add3A_166 = arith.addi %sub3A_164, %add3A_165 : vector<16xi32>
      %mul3A_167 = arith.constant 16 : i32
      %mul3A_168 = arith.muli %scan3A_151, %mul3A_167 : i32
      %add3A_169 = arith.constant 8192 : i32
      %add3A_170 = arith.addi %add3A_169, %mul3A_168 : i32
      %add3A_171 = vector.broadcast %add3A_170 : i32 to vector<16xi32>
      %add3A_172 = arith.addi %add3A_171, %iota3A : vector<16xi32>
      %sub3A_173 = vector.broadcast %shift_left3A_1 : i32 to vector<16xi32>
      %sub3A_174 = arith.subi %get3A_155, %sub3A_173 : vector<16xi32>
      %shift_left3A_175 = arith.constant 14 : i32
      %shift_left3A_176 = vector.broadcast %shift_left3A_175 : i32 to vector<16xi32>
      %shift_left3A_177 = arith.shli %sub3A_174, %shift_left3A_176 : vector<16xi32>
      %or3A = arith.ori %shift_left3A_177, %add3A_172 : vector<16xi32>
      tpu.vector_store_idx %arg6[%add3A_166], %or3A masked %eq3A_160 : memref<16400xi32, #tpu.memory_space<vmem>>[vector<16xi32>], vector<16xi32>, vector<16xi1>
      %reduce_sum3A_178 = arith.constant true
      %reduce_sum3A_179 = vector.broadcast %reduce_sum3A_178 : i1 to vector<16xi1>
      %reduce_sum3A_180 = tpu.scan <sum>, %convert_element_type3A_161 masked %reduce_sum3A_179 : vector<16xi32>, vector<16xi1> -> vector<16xi32>
      %reduce_sum3A_181 = vector.extract %reduce_sum3A_180[15] : i32 from vector<16xi32>
      %add3A_182 = arith.addi %scan3A_152, %reduce_sum3A_181 : i32
      scf.yield %add3A_182 : i32
    }
    %scan3A_22 = arith.constant 256 : i32
    "tpu.region"() ({
      %run_scoped3A = tpu.sem_alloc : memref<!tpu.dma_semaphore, #tpu.memory_space<semaphore_mem>>
      %dma_start3A = arith.constant 12288 : i32
      %dma_start3A_151 = tpu.memref_slice %arg2[%dma_start3A] : memref<16384xi32, #tpu.memory_space<hbm>> -> memref<4096xi32, #tpu.memory_space<hbm>>
      %dma_start3A_152 = arith.constant 12288 : i32
      %dma_start3A_153 = tpu.memref_slice %arg2[%dma_start3A_152] : memref<16384xi32, #tpu.memory_space<hbm>> -> memref<4096xi32, #tpu.memory_space<hbm>>
      tpu.enqueue_dma source(%dma_start3A_153 : memref<4096xi32, #tpu.memory_space<hbm>>) target(%arg5 : memref<4096xi32, #tpu.memory_space<vmem>>) target_semaphore(%run_scoped3A : memref<!tpu.dma_semaphore, #tpu.memory_space<semaphore_mem>>)
      %dma_wait3A = arith.constant 12288 : i32
      %dma_wait3A_154 = tpu.memref_slice %arg2[%dma_wait3A] : memref<16384xi32, #tpu.memory_space<hbm>> -> memref<4096xi32, #tpu.memory_space<hbm>>
      %dma_wait3A_155 = arith.constant 12288 : i32
      %dma_wait3A_156 = tpu.memref_slice %arg2[%dma_wait3A_155] : memref<16384xi32, #tpu.memory_space<hbm>> -> memref<4096xi32, #tpu.memory_space<hbm>>
      tpu.wait_dma2 semaphore(%run_scoped3A : memref<!tpu.dma_semaphore, #tpu.memory_space<semaphore_mem>>) src(%dma_wait3A_156 : memref<4096xi32, #tpu.memory_space<hbm>>) dst(%arg5 : memref<4096xi32, #tpu.memory_space<vmem>>)
      tpu.yield
    }) : () -> ()
    %scan3A_23 = arith.constant 0 : i32
    %scan3A_24 = arith.constant 256 : i32
    %scan3A_25 = arith.addi %scan3A_23, %scan3A_24 : i32
    %scan3A_26 = arith.constant 1 : i32
    %scan3A_27 = scf.for %scan3A_151 = %scan3A_23 to %scan3A_25 step %scan3A_26 iter_args(%scan3A_152 = %scan3A_21) -> (i32)  : i32 {
      %mul3A_153 = arith.constant 16 : i32
      %mul3A_154 = arith.muli %scan3A_151, %mul3A_153 : i32
      %get3A = arith.index_cast %mul3A_154 : i32 to index
      %get3A_155 = tpu.vector_load %arg5[%get3A] {strides = array<i32>} : memref<4096xi32, #tpu.memory_space<vmem>>, vector<16xi32>,
      %shift_right_arithmetic3A_156 = arith.constant 15 : i32
      %shift_right_arithmetic3A_157 = vector.broadcast %shift_right_arithmetic3A_156 : i32 to vector<16xi32>
      %shift_right_arithmetic3A_158 = arith.shrsi %get3A_155, %shift_right_arithmetic3A_157 : vector<16xi32>
      %eq3A_159 = vector.broadcast %add3A : i32 to vector<16xi32>
      %eq3A_160 = arith.cmpi eq, %shift_right_arithmetic3A_158, %eq3A_159 : vector<16xi32>
      %convert_element_type3A_161 = arith.extui %eq3A_160 : vector<16xi1> to vector<16xi32>
      %broadcast_in_dim3A_162 = arith.constant true
      %broadcast_in_dim3A_163 = vector.broadcast %broadcast_in_dim3A_162 : i1 to vector<16xi1>
      %masked_cumsum3A = tpu.scan <sum>, %convert_element_type3A_161 masked %broadcast_in_dim3A_163 : vector<16xi32>, vector<16xi1> -> vector<16xi32>
      %sub3A_164 = arith.subi %masked_cumsum3A, %convert_element_type3A_161 : vector<16xi32>
      %add3A_165 = vector.broadcast %scan3A_152 : i32 to vector<16xi32>
      %add3A_166 = arith.addi %sub3A_164, %add3A_165 : vector<16xi32>
      %mul3A_167 = arith.constant 16 : i32
      %mul3A_168 = arith.muli %scan3A_151, %mul3A_167 : i32
      %add3A_169 = arith.constant 12288 : i32
      %add3A_170 = arith.addi %add3A_169, %mul3A_168 : i32
      %add3A_171 = vector.broadcast %add3A_170 : i32 to vector<16xi32>
      %add3A_172 = arith.addi %add3A_171, %iota3A : vector<16xi32>
      %sub3A_173 = vector.broadcast %shift_left3A_1 : i32 to vector<16xi32>
      %sub3A_174 = arith.subi %get3A_155, %sub3A_173 : vector<16xi32>
      %shift_left3A_175 = arith.constant 14 : i32
      %shift_left3A_176 = vector.broadcast %shift_left3A_175 : i32 to vector<16xi32>
      %shift_left3A_177 = arith.shli %sub3A_174, %shift_left3A_176 : vector<16xi32>
      %or3A = arith.ori %shift_left3A_177, %add3A_172 : vector<16xi32>
      tpu.vector_store_idx %arg6[%add3A_166], %or3A masked %eq3A_160 : memref<16400xi32, #tpu.memory_space<vmem>>[vector<16xi32>], vector<16xi32>, vector<16xi1>
      %reduce_sum3A_178 = arith.constant true
      %reduce_sum3A_179 = vector.broadcast %reduce_sum3A_178 : i1 to vector<16xi1>
      %reduce_sum3A_180 = tpu.scan <sum>, %convert_element_type3A_161 masked %reduce_sum3A_179 : vector<16xi32>, vector<16xi1> -> vector<16xi32>
      %reduce_sum3A_181 = vector.extract %reduce_sum3A_180[15] : i32 from vector<16xi32>
      %add3A_182 = arith.addi %scan3A_152, %reduce_sum3A_181 : i32
      scf.yield %add3A_182 : i32
    }
    %scan3A_28 = arith.constant 256 : i32
    %swap3A = arith.constant 0 : index
    %swap3A_29 = tpu.vector_load %arg8[%swap3A] {strides = array<i32>} : memref<144xi32, #tpu.memory_space<vmem>>, vector<16xi32>,
    tpu.vector_store %arg8[%swap3A], %broadcast_in_dim3A_2 {strides = array<i32>} : memref<144xi32, #tpu.memory_space<vmem>>, vector<16xi32>,
    %swap3A_30 = arith.constant 16 : index
    %swap3A_31 = tpu.vector_load %arg8[%swap3A_30] {strides = array<i32>} : memref<144xi32, #tpu.memory_space<vmem>>, vector<16xi32>,
    tpu.vector_store %arg8[%swap3A_30], %broadcast_in_dim3A_2 {strides = array<i32>} : memref<144xi32, #tpu.memory_space<vmem>>, vector<16xi32>,
    %swap3A_32 = arith.constant 32 : index
    %swap3A_33 = tpu.vector_load %arg8[%swap3A_32] {strides = array<i32>} : memref<144xi32, #tpu.memory_space<vmem>>, vector<16xi32>,
    tpu.vector_store %arg8[%swap3A_32], %broadcast_in_dim3A_2 {strides = array<i32>} : memref<144xi32, #tpu.memory_space<vmem>>, vector<16xi32>,
    %swap3A_34 = arith.constant 48 : index
    %swap3A_35 = tpu.vector_load %arg8[%swap3A_34] {strides = array<i32>} : memref<144xi32, #tpu.memory_space<vmem>>, vector<16xi32>,
    tpu.vector_store %arg8[%swap3A_34], %broadcast_in_dim3A_2 {strides = array<i32>} : memref<144xi32, #tpu.memory_space<vmem>>, vector<16xi32>,
    %swap3A_36 = arith.constant 64 : index
    %swap3A_37 = tpu.vector_load %arg8[%swap3A_36] {strides = array<i32>} : memref<144xi32, #tpu.memory_space<vmem>>, vector<16xi32>,
    tpu.vector_store %arg8[%swap3A_36], %broadcast_in_dim3A_2 {strides = array<i32>} : memref<144xi32, #tpu.memory_space<vmem>>, vector<16xi32>,
    %swap3A_38 = arith.constant 80 : index
    %swap3A_39 = tpu.vector_load %arg8[%swap3A_38] {strides = array<i32>} : memref<144xi32, #tpu.memory_space<vmem>>, vector<16xi32>,
    tpu.vector_store %arg8[%swap3A_38], %broadcast_in_dim3A_2 {strides = array<i32>} : memref<144xi32, #tpu.memory_space<vmem>>, vector<16xi32>,
    %swap3A_40 = arith.constant 96 : index
    %swap3A_41 = tpu.vector_load %arg8[%swap3A_40] {strides = array<i32>} : memref<144xi32, #tpu.memory_space<vmem>>, vector<16xi32>,
    tpu.vector_store %arg8[%swap3A_40], %broadcast_in_dim3A_2 {strides = array<i32>} : memref<144xi32, #tpu.memory_space<vmem>>, vector<16xi32>,
    %swap3A_42 = arith.constant 112 : index
    %swap3A_43 = tpu.vector_load %arg8[%swap3A_42] {strides = array<i32>} : memref<144xi32, #tpu.memory_space<vmem>>, vector<16xi32>,
    tpu.vector_store %arg8[%swap3A_42], %broadcast_in_dim3A_2 {strides = array<i32>} : memref<144xi32, #tpu.memory_space<vmem>>, vector<16xi32>,
    %swap3A_44 = arith.constant 128 : index
    %swap3A_45 = tpu.vector_load %arg8[%swap3A_44] {strides = array<i32>} : memref<144xi32, #tpu.memory_space<vmem>>, vector<16xi32>,
    tpu.vector_store %arg8[%swap3A_44], %broadcast_in_dim3A_2 {strides = array<i32>} : memref<144xi32, #tpu.memory_space<vmem>>, vector<16xi32>,
    %while3A = arith.constant 0 : i32
    %while3A_46 = arith.constant 0 : i32
    %while3A_47 = arith.subi %scan3A_27, %while3A : i32
    %while3A_48 = arith.addi %while3A, %while3A_47 : i32
    %while3A_49 = arith.constant 1 : i32
    %while3A_50 = arith.divsi %while3A_47, %while3A_49 : i32
    %while3A_51 = arith.muli %while3A_50, %while3A_49 : i32
    %while3A_52 = arith.addi %while3A, %while3A_51 : i32
    %while3A_53 = arith.constant 1 : i32
    %while3A_54 = scf.for %while3A_151 = %while3A to %while3A_52 step %while3A_53 iter_args(%while3A_152 = %while3A_46) -> (i32)  : i32 {
      %shift_right_arithmetic3A_153 = arith.constant 4 : i32
      %shift_right_arithmetic3A_154 = arith.shrsi %while3A_151, %shift_right_arithmetic3A_153 : i32
      %mul3A_155 = arith.constant 16 : i32
      %mul3A_156 = arith.muli %shift_right_arithmetic3A_154, %mul3A_155 : i32
      %get3A = arith.index_cast %mul3A_156 : i32 to index
      %get3A_157 = tpu.vector_load %arg6[%get3A] {strides = array<i32>} : memref<16400xi32, #tpu.memory_space<vmem>>, vector<16xi32>,
      %and3A = arith.constant 15 : i32
      %and3A_158 = arith.andi %while3A_151, %and3A : i32
      %eq3A_159 = vector.broadcast %and3A_158 : i32 to vector<16xi32>
      %eq3A_160 = arith.cmpi eq, %iota3A, %eq3A_159 : vector<16xi32>
      %jit3A_161 = arith.constant 0 : i32
      %broadcast_in_dim3A_162 = vector.broadcast %jit3A_161 : i32 to vector<16xi32>
      %select_n3A_163 = arith.select %eq3A_160, %get3A_157, %broadcast_in_dim3A_162 : vector<16xi1>, vector<16xi32>
      %reduce_sum3A_164 = arith.constant true
      %reduce_sum3A_165 = vector.broadcast %reduce_sum3A_164 : i1 to vector<16xi1>
      %reduce_sum3A_166 = tpu.scan <sum>, %select_n3A_163 masked %reduce_sum3A_165 : vector<16xi32>, vector<16xi1> -> vector<16xi32>
      %reduce_sum3A_167 = vector.extract %reduce_sum3A_166[15] : i32 from vector<16xi32>
      %shift_right_arithmetic3A_168 = arith.constant 22 : i32
      %shift_right_arithmetic3A_169 = arith.shrsi %reduce_sum3A_167, %shift_right_arithmetic3A_168 : i32
      %broadcast_in_dim3A_170 = vector.broadcast %shift_right_arithmetic3A_169 : i32 to vector<16xi32>
      %gather3A_171 = tpu.vector_load_idx %arg8[%broadcast_in_dim3A_170] : memref<144xi32, #tpu.memory_space<vmem>>[vector<16xi32>], vector<16xi32>,
      %add3A_172 = arith.constant 1 : i32
      %add3A_173 = vector.broadcast %add3A_172 : i32 to vector<16xi32>
      %add3A_174 = arith.addi %gather3A_171, %add3A_173 : vector<16xi32>
      tpu.vector_store_idx %arg8[%broadcast_in_dim3A_170], %add3A_174 masked %eq3A_4 : memref<144xi32, #tpu.memory_space<vmem>>[vector<16xi32>], vector<16xi32>, vector<16xi1>
      %while3A_175 = arith.constant 0 : i32
      scf.yield %while3A_175 : i32
    }
    %while3A_55 = arith.constant 1 : i32
    %while3A_56 = scf.for %while3A_151 = %while3A_52 to %while3A_48 step %while3A_55 iter_args(%while3A_152 = %while3A_54) -> (i32)  : i32 {
      %shift_right_arithmetic3A_153 = arith.constant 4 : i32
      %shift_right_arithmetic3A_154 = arith.shrsi %while3A_151, %shift_right_arithmetic3A_153 : i32
      %mul3A_155 = arith.constant 16 : i32
      %mul3A_156 = arith.muli %shift_right_arithmetic3A_154, %mul3A_155 : i32
      %get3A = arith.index_cast %mul3A_156 : i32 to index
      %get3A_157 = tpu.vector_load %arg6[%get3A] {strides = array<i32>} : memref<16400xi32, #tpu.memory_space<vmem>>, vector<16xi32>,
      %and3A = arith.constant 15 : i32
      %and3A_158 = arith.andi %while3A_151, %and3A : i32
      %eq3A_159 = vector.broadcast %and3A_158 : i32 to vector<16xi32>
      %eq3A_160 = arith.cmpi eq, %iota3A, %eq3A_159 : vector<16xi32>
      %jit3A_161 = arith.constant 0 : i32
      %broadcast_in_dim3A_162 = vector.broadcast %jit3A_161 : i32 to vector<16xi32>
      %select_n3A_163 = arith.select %eq3A_160, %get3A_157, %broadcast_in_dim3A_162 : vector<16xi1>, vector<16xi32>
      %reduce_sum3A_164 = arith.constant true
      %reduce_sum3A_165 = vector.broadcast %reduce_sum3A_164 : i1 to vector<16xi1>
      %reduce_sum3A_166 = tpu.scan <sum>, %select_n3A_163 masked %reduce_sum3A_165 : vector<16xi32>, vector<16xi1> -> vector<16xi32>
      %reduce_sum3A_167 = vector.extract %reduce_sum3A_166[15] : i32 from vector<16xi32>
      %shift_right_arithmetic3A_168 = arith.constant 22 : i32
      %shift_right_arithmetic3A_169 = arith.shrsi %reduce_sum3A_167, %shift_right_arithmetic3A_168 : i32
      %broadcast_in_dim3A_170 = vector.broadcast %shift_right_arithmetic3A_169 : i32 to vector<16xi32>
      %gather3A_171 = tpu.vector_load_idx %arg8[%broadcast_in_dim3A_170] : memref<144xi32, #tpu.memory_space<vmem>>[vector<16xi32>], vector<16xi32>,
      %add3A_172 = arith.constant 1 : i32
      %add3A_173 = vector.broadcast %add3A_172 : i32 to vector<16xi32>
      %add3A_174 = arith.addi %gather3A_171, %add3A_173 : vector<16xi32>
      tpu.vector_store_idx %arg8[%broadcast_in_dim3A_170], %add3A_174 masked %eq3A_4 : memref<144xi32, #tpu.memory_space<vmem>>[vector<16xi32>], vector<16xi32>, vector<16xi1>
      %while3A_175 = arith.constant 0 : i32
      scf.yield %while3A_175 : i32
    }
    %scan3A_57 = arith.constant 0 : i32
    %scan3A_58 = arith.constant 0 : i32
    %scan3A_59 = arith.constant 9 : i32
    %scan3A_60 = arith.addi %scan3A_58, %scan3A_59 : i32
    %scan3A_61 = arith.constant 1 : i32
    %scan3A_62 = scf.for %scan3A_151 = %scan3A_58 to %scan3A_60 step %scan3A_61 iter_args(%scan3A_152 = %scan3A_57) -> (i32)  : i32 {
      %mul3A_153 = arith.constant 16 : i32
      %mul3A_154 = arith.muli %scan3A_151, %mul3A_153 : i32
      %get3A = arith.index_cast %mul3A_154 : i32 to index
      %get3A_155 = tpu.vector_load %arg8[%get3A] {strides = array<i32>} : memref<144xi32, #tpu.memory_space<vmem>>, vector<16xi32>,
      %broadcast_in_dim3A_156 = arith.constant true
      %broadcast_in_dim3A_157 = vector.broadcast %broadcast_in_dim3A_156 : i1 to vector<16xi1>
      %masked_cumsum3A = tpu.scan <sum>, %get3A_155 masked %broadcast_in_dim3A_157 : vector<16xi32>, vector<16xi1> -> vector<16xi32>
      %sub3A_158 = arith.subi %masked_cumsum3A, %get3A_155 : vector<16xi32>
      %add3A_159 = vector.broadcast %scan3A_152 : i32 to vector<16xi32>
      %add3A_160 = arith.addi %sub3A_158, %add3A_159 : vector<16xi32>
      %mul3A_161 = arith.constant 16 : i32
      %mul3A_162 = arith.muli %scan3A_151, %mul3A_161 : i32
      %swap3A_163 = arith.index_cast %mul3A_162 : i32 to index
      %swap3A_164 = tpu.vector_load %arg9[%swap3A_163] {strides = array<i32>} : memref<144xi32, #tpu.memory_space<vmem>>, vector<16xi32>,
      tpu.vector_store %arg9[%swap3A_163], %add3A_160 {strides = array<i32>} : memref<144xi32, #tpu.memory_space<vmem>>, vector<16xi32>,
      %mul3A_165 = arith.constant 16 : i32
      %mul3A_166 = arith.muli %scan3A_151, %mul3A_165 : i32
      %swap3A_167 = arith.index_cast %mul3A_166 : i32 to index
      %swap3A_168 = tpu.vector_load %arg10[%swap3A_167] {strides = array<i32>} : memref<144xi32, #tpu.memory_space<vmem>>, vector<16xi32>,
      tpu.vector_store %arg10[%swap3A_167], %add3A_160 {strides = array<i32>} : memref<144xi32, #tpu.memory_space<vmem>>, vector<16xi32>,
      %reduce_sum3A_169 = arith.constant true
      %reduce_sum3A_170 = vector.broadcast %reduce_sum3A_169 : i1 to vector<16xi1>
      %reduce_sum3A_171 = tpu.scan <sum>, %get3A_155 masked %reduce_sum3A_170 : vector<16xi32>, vector<16xi1> -> vector<16xi32>
      %reduce_sum3A_172 = vector.extract %reduce_sum3A_171[15] : i32 from vector<16xi32>
      %add3A_173 = arith.addi %scan3A_152, %reduce_sum3A_172 : i32
      scf.yield %add3A_173 : i32
    }
    %scan3A_63 = arith.constant 9 : i32
    %while3A_64 = arith.constant 0 : i32
    %while3A_65 = arith.constant 0 : i32
    %while3A_66 = arith.subi %scan3A_27, %while3A_64 : i32
    %while3A_67 = arith.addi %while3A_64, %while3A_66 : i32
    %while3A_68 = arith.constant 1 : i32
    %while3A_69 = arith.divsi %while3A_66, %while3A_68 : i32
    %while3A_70 = arith.muli %while3A_69, %while3A_68 : i32
    %while3A_71 = arith.addi %while3A_64, %while3A_70 : i32
    %while3A_72 = arith.constant 1 : i32
    %while3A_73 = scf.for %while3A_151 = %while3A_64 to %while3A_71 step %while3A_72 iter_args(%while3A_152 = %while3A_65) -> (i32)  : i32 {
      %shift_right_arithmetic3A_153 = arith.constant 4 : i32
      %shift_right_arithmetic3A_154 = arith.shrsi %while3A_151, %shift_right_arithmetic3A_153 : i32
      %mul3A_155 = arith.constant 16 : i32
      %mul3A_156 = arith.muli %shift_right_arithmetic3A_154, %mul3A_155 : i32
      %get3A = arith.index_cast %mul3A_156 : i32 to index
      %get3A_157 = tpu.vector_load %arg6[%get3A] {strides = array<i32>} : memref<16400xi32, #tpu.memory_space<vmem>>, vector<16xi32>,
      %and3A = arith.constant 15 : i32
      %and3A_158 = arith.andi %while3A_151, %and3A : i32
      %eq3A_159 = vector.broadcast %and3A_158 : i32 to vector<16xi32>
      %eq3A_160 = arith.cmpi eq, %iota3A, %eq3A_159 : vector<16xi32>
      %jit3A_161 = arith.constant 0 : i32
      %broadcast_in_dim3A_162 = vector.broadcast %jit3A_161 : i32 to vector<16xi32>
      %select_n3A_163 = arith.select %eq3A_160, %get3A_157, %broadcast_in_dim3A_162 : vector<16xi1>, vector<16xi32>
      %reduce_sum3A_164 = arith.constant true
      %reduce_sum3A_165 = vector.broadcast %reduce_sum3A_164 : i1 to vector<16xi1>
      %reduce_sum3A_166 = tpu.scan <sum>, %select_n3A_163 masked %reduce_sum3A_165 : vector<16xi32>, vector<16xi1> -> vector<16xi32>
      %reduce_sum3A_167 = vector.extract %reduce_sum3A_166[15] : i32 from vector<16xi32>
      %shift_right_arithmetic3A_168 = arith.constant 22 : i32
      %shift_right_arithmetic3A_169 = arith.shrsi %reduce_sum3A_167, %shift_right_arithmetic3A_168 : i32
      %broadcast_in_dim3A_170 = vector.broadcast %shift_right_arithmetic3A_169 : i32 to vector<16xi32>
      %gather3A_171 = tpu.vector_load_idx %arg10[%broadcast_in_dim3A_170] : memref<144xi32, #tpu.memory_space<vmem>>[vector<16xi32>], vector<16xi32>,
      %broadcast_in_dim3A_172 = vector.broadcast %reduce_sum3A_167 : i32 to vector<16xi32>
      tpu.vector_store_idx %arg7[%gather3A_171], %broadcast_in_dim3A_172 masked %eq3A_4 : memref<16400xi32, #tpu.memory_space<vmem>>[vector<16xi32>], vector<16xi32>, vector<16xi1>
      %add3A_173 = arith.constant 1 : i32
      %add3A_174 = vector.broadcast %add3A_173 : i32 to vector<16xi32>
      %add3A_175 = arith.addi %gather3A_171, %add3A_174 : vector<16xi32>
      tpu.vector_store_idx %arg10[%broadcast_in_dim3A_170], %add3A_175 masked %eq3A_4 : memref<144xi32, #tpu.memory_space<vmem>>[vector<16xi32>], vector<16xi32>, vector<16xi1>
      %while3A_176 = arith.constant 0 : i32
      scf.yield %while3A_176 : i32
    }
    %while3A_74 = arith.constant 1 : i32
    %while3A_75 = scf.for %while3A_151 = %while3A_71 to %while3A_67 step %while3A_74 iter_args(%while3A_152 = %while3A_73) -> (i32)  : i32 {
      %shift_right_arithmetic3A_153 = arith.constant 4 : i32
      %shift_right_arithmetic3A_154 = arith.shrsi %while3A_151, %shift_right_arithmetic3A_153 : i32
      %mul3A_155 = arith.constant 16 : i32
      %mul3A_156 = arith.muli %shift_right_arithmetic3A_154, %mul3A_155 : i32
      %get3A = arith.index_cast %mul3A_156 : i32 to index
      %get3A_157 = tpu.vector_load %arg6[%get3A] {strides = array<i32>} : memref<16400xi32, #tpu.memory_space<vmem>>, vector<16xi32>,
      %and3A = arith.constant 15 : i32
      %and3A_158 = arith.andi %while3A_151, %and3A : i32
      %eq3A_159 = vector.broadcast %and3A_158 : i32 to vector<16xi32>
      %eq3A_160 = arith.cmpi eq, %iota3A, %eq3A_159 : vector<16xi32>
      %jit3A_161 = arith.constant 0 : i32
      %broadcast_in_dim3A_162 = vector.broadcast %jit3A_161 : i32 to vector<16xi32>
      %select_n3A_163 = arith.select %eq3A_160, %get3A_157, %broadcast_in_dim3A_162 : vector<16xi1>, vector<16xi32>
      %reduce_sum3A_164 = arith.constant true
      %reduce_sum3A_165 = vector.broadcast %reduce_sum3A_164 : i1 to vector<16xi1>
      %reduce_sum3A_166 = tpu.scan <sum>, %select_n3A_163 masked %reduce_sum3A_165 : vector<16xi32>, vector<16xi1> -> vector<16xi32>
      %reduce_sum3A_167 = vector.extract %reduce_sum3A_166[15] : i32 from vector<16xi32>
      %shift_right_arithmetic3A_168 = arith.constant 22 : i32
      %shift_right_arithmetic3A_169 = arith.shrsi %reduce_sum3A_167, %shift_right_arithmetic3A_168 : i32
      %broadcast_in_dim3A_170 = vector.broadcast %shift_right_arithmetic3A_169 : i32 to vector<16xi32>
      %gather3A_171 = tpu.vector_load_idx %arg10[%broadcast_in_dim3A_170] : memref<144xi32, #tpu.memory_space<vmem>>[vector<16xi32>], vector<16xi32>,
      %broadcast_in_dim3A_172 = vector.broadcast %reduce_sum3A_167 : i32 to vector<16xi32>
      tpu.vector_store_idx %arg7[%gather3A_171], %broadcast_in_dim3A_172 masked %eq3A_4 : memref<16400xi32, #tpu.memory_space<vmem>>[vector<16xi32>], vector<16xi32>, vector<16xi1>
      %add3A_173 = arith.constant 1 : i32
      %add3A_174 = vector.broadcast %add3A_173 : i32 to vector<16xi32>
      %add3A_175 = arith.addi %gather3A_171, %add3A_174 : vector<16xi32>
      tpu.vector_store_idx %arg10[%broadcast_in_dim3A_170], %add3A_175 masked %eq3A_4 : memref<144xi32, #tpu.memory_space<vmem>>[vector<16xi32>], vector<16xi32>, vector<16xi1>
      %while3A_176 = arith.constant 0 : i32
      scf.yield %while3A_176 : i32
    }
    %sub3A = arith.constant 999936 : i32
    %sub3A_76 = arith.subi %sub3A, %shift_left3A_1 : i32
    %max3A = arith.constant 0 : i32
    %max3A_77 = arith.maxsi %sub3A_76, %max3A : i32
    %shift_right_arithmetic3A = arith.constant 8 : i32
    %shift_right_arithmetic3A_78 = arith.shrsi %max3A_77, %shift_right_arithmetic3A : i32
    %min3A = arith.constant 128 : i32
    %min3A_79 = arith.minsi %shift_right_arithmetic3A_78, %min3A : i32
    %gt3A = arith.constant 0 : i32
    %gt3A_80 = arith.cmpi sgt, %min3A_79, %gt3A : i32
    %convert_element_type3A = arith.extui %gt3A_80 : i1 to i32
    %cond3A = arith.constant 0 : i32
    %cond3A_81 = arith.cmpi ne, %convert_element_type3A, %cond3A : i32
    scf.if %cond3A_81 {
      %add3A_151 = arith.constant 0 : i32
      %add3A_152 = arith.addi %shift_left3A_1, %add3A_151 : i32
      %multiple_of3A = tpu.assume_multiple %add3A_152, 256 : i32
      %dma_start3A = arith.constant 0 : i32
      %dma_start3A_153 = arith.constant 0 : i32
      %dma_start3A_154 = arith.constant 0 : i32
      %dma_start3A_155 = tpu.memref_slice %arg11[%dma_start3A, %dma_start3A_153, %dma_start3A_154] : memref<4x64x256xf32, #tpu.memory_space<vmem>> -> memref<1x64x256xf32, #tpu.memory_space<vmem>>
      %dma_start3A_156 = tpu.memref_squeeze %dma_start3A_155 : memref<1x64x256xf32, #tpu.memory_space<vmem>> -> memref<64x256xf32, #tpu.memory_space<vmem>>
      %dma_start3A_157 = arith.constant 0 : i32
      %dma_start3A_158 = tpu.memref_slice %arg3[%dma_start3A_157, %multiple_of3A] : memref<64x1000000xf32, #tpu.memory_space<hbm>> -> memref<64x256xf32, #tpu.memory_space<hbm>>
      %dma_start3A_159 = arith.constant 0 : i32
      %dma_start3A_160 = arith.constant 0 : i32
      %dma_start3A_161 = tpu.memref_slice %arg11[%dma_start3A, %dma_start3A_159, %dma_start3A_160] : memref<4x64x256xf32, #tpu.memory_space<vmem>> -> memref<1x64x256xf32, #tpu.memory_space<vmem>>
      %dma_start3A_162 = tpu.memref_squeeze %dma_start3A_161 : memref<1x64x256xf32, #tpu.memory_space<vmem>> -> memref<64x256xf32, #tpu.memory_space<vmem>>
      %dma_start3A_163 = arith.constant 0 : i32
      %dma_start3A_164 = tpu.memref_slice %arg3[%dma_start3A_163, %multiple_of3A] : memref<64x1000000xf32, #tpu.memory_space<hbm>> -> memref<64x256xf32, #tpu.memory_space<hbm>>
      tpu.enqueue_dma source(%dma_start3A_164 : memref<64x256xf32, #tpu.memory_space<hbm>>) target(%dma_start3A_162 : memref<64x256xf32, #tpu.memory_space<vmem>>) target_semaphore(%arg14 : memref<!tpu.dma_semaphore, #tpu.memory_space<semaphore_mem>>)
    } else {
    }
    %gt3A_82 = arith.constant 1 : i32
    %gt3A_83 = arith.cmpi sgt, %min3A_79, %gt3A_82 : i32
    %convert_element_type3A_84 = arith.extui %gt3A_83 : i1 to i32
    %cond3A_85 = arith.constant 0 : i32
    %cond3A_86 = arith.cmpi ne, %convert_element_type3A_84, %cond3A_85 : i32
    scf.if %cond3A_86 {
      %add3A_151 = arith.constant 256 : i32
      %add3A_152 = arith.addi %shift_left3A_1, %add3A_151 : i32
      %multiple_of3A = tpu.assume_multiple %add3A_152, 256 : i32
      %dma_start3A = arith.constant 1 : i32
      %dma_start3A_153 = arith.constant 0 : i32
      %dma_start3A_154 = arith.constant 0 : i32
      %dma_start3A_155 = tpu.memref_slice %arg11[%dma_start3A, %dma_start3A_153, %dma_start3A_154] : memref<4x64x256xf32, #tpu.memory_space<vmem>> -> memref<1x64x256xf32, #tpu.memory_space<vmem>>
      %dma_start3A_156 = tpu.memref_squeeze %dma_start3A_155 : memref<1x64x256xf32, #tpu.memory_space<vmem>> -> memref<64x256xf32, #tpu.memory_space<vmem>>
      %dma_start3A_157 = arith.constant 0 : i32
      %dma_start3A_158 = tpu.memref_slice %arg3[%dma_start3A_157, %multiple_of3A] : memref<64x1000000xf32, #tpu.memory_space<hbm>> -> memref<64x256xf32, #tpu.memory_space<hbm>>
      %dma_start3A_159 = arith.constant 0 : i32
      %dma_start3A_160 = arith.constant 0 : i32
      %dma_start3A_161 = tpu.memref_slice %arg11[%dma_start3A, %dma_start3A_159, %dma_start3A_160] : memref<4x64x256xf32, #tpu.memory_space<vmem>> -> memref<1x64x256xf32, #tpu.memory_space<vmem>>
      %dma_start3A_162 = tpu.memref_squeeze %dma_start3A_161 : memref<1x64x256xf32, #tpu.memory_space<vmem>> -> memref<64x256xf32, #tpu.memory_space<vmem>>
      %dma_start3A_163 = arith.constant 0 : i32
      %dma_start3A_164 = tpu.memref_slice %arg3[%dma_start3A_163, %multiple_of3A] : memref<64x1000000xf32, #tpu.memory_space<hbm>> -> memref<64x256xf32, #tpu.memory_space<hbm>>
      tpu.enqueue_dma source(%dma_start3A_164 : memref<64x256xf32, #tpu.memory_space<hbm>>) target(%dma_start3A_162 : memref<64x256xf32, #tpu.memory_space<vmem>>) target_semaphore(%arg14 : memref<!tpu.dma_semaphore, #tpu.memory_space<semaphore_mem>>)
    } else {
    }
    %gt3A_87 = arith.constant 2 : i32
    %gt3A_88 = arith.cmpi sgt, %min3A_79, %gt3A_87 : i32
    %convert_element_type3A_89 = arith.extui %gt3A_88 : i1 to i32
    %cond3A_90 = arith.constant 0 : i32
    %cond3A_91 = arith.cmpi ne, %convert_element_type3A_89, %cond3A_90 : i32
    scf.if %cond3A_91 {
      %add3A_151 = arith.constant 512 : i32
      %add3A_152 = arith.addi %shift_left3A_1, %add3A_151 : i32
      %multiple_of3A = tpu.assume_multiple %add3A_152, 256 : i32
      %dma_start3A = arith.constant 2 : i32
      %dma_start3A_153 = arith.constant 0 : i32
      %dma_start3A_154 = arith.constant 0 : i32
      %dma_start3A_155 = tpu.memref_slice %arg11[%dma_start3A, %dma_start3A_153, %dma_start3A_154] : memref<4x64x256xf32, #tpu.memory_space<vmem>> -> memref<1x64x256xf32, #tpu.memory_space<vmem>>
      %dma_start3A_156 = tpu.memref_squeeze %dma_start3A_155 : memref<1x64x256xf32, #tpu.memory_space<vmem>> -> memref<64x256xf32, #tpu.memory_space<vmem>>
      %dma_start3A_157 = arith.constant 0 : i32
      %dma_start3A_158 = tpu.memref_slice %arg3[%dma_start3A_157, %multiple_of3A] : memref<64x1000000xf32, #tpu.memory_space<hbm>> -> memref<64x256xf32, #tpu.memory_space<hbm>>
      %dma_start3A_159 = arith.constant 0 : i32
      %dma_start3A_160 = arith.constant 0 : i32
      %dma_start3A_161 = tpu.memref_slice %arg11[%dma_start3A, %dma_start3A_159, %dma_start3A_160] : memref<4x64x256xf32, #tpu.memory_space<vmem>> -> memref<1x64x256xf32, #tpu.memory_space<vmem>>
      %dma_start3A_162 = tpu.memref_squeeze %dma_start3A_161 : memref<1x64x256xf32, #tpu.memory_space<vmem>> -> memref<64x256xf32, #tpu.memory_space<vmem>>
      %dma_start3A_163 = arith.constant 0 : i32
      %dma_start3A_164 = tpu.memref_slice %arg3[%dma_start3A_163, %multiple_of3A] : memref<64x1000000xf32, #tpu.memory_space<hbm>> -> memref<64x256xf32, #tpu.memory_space<hbm>>
      tpu.enqueue_dma source(%dma_start3A_164 : memref<64x256xf32, #tpu.memory_space<hbm>>) target(%dma_start3A_162 : memref<64x256xf32, #tpu.memory_space<vmem>>) target_semaphore(%arg14 : memref<!tpu.dma_semaphore, #tpu.memory_space<semaphore_mem>>)
    } else {
    }
    %while3A_92 = arith.constant 0 : i32
    %while3A_93 = arith.constant 0 : i32
    %while3A_94 = arith.constant 0 : i32
    %while3A_95 = arith.subi %min3A_79, %while3A_92 : i32
    %while3A_96 = arith.addi %while3A_92, %while3A_95 : i32
    %while3A_97 = arith.constant 1 : i32
    %while3A_98 = arith.divsi %while3A_95, %while3A_97 : i32
    %while3A_99 = arith.muli %while3A_98, %while3A_97 : i32
    %while3A_100 = arith.addi %while3A_92, %while3A_99 : i32
    %while3A_101 = arith.constant 1 : i32
    %while3A_102:2 = scf.for %while3A_151 = %while3A_92 to %while3A_100 step %while3A_101 iter_args(%while3A_152 = %while3A_93, %while3A_153 = %while3A_94) -> (i32, i32)  : i32 {
      %add3A_154 = arith.constant 3 : i32
      %add3A_155 = arith.addi %while3A_151, %add3A_154 : i32
      %lt3A = arith.cmpi slt, %add3A_155, %min3A_79 : i32
      %convert_element_type3A_156 = arith.extui %lt3A : i1 to i32
      %cond3A_157 = arith.constant 0 : i32
      %cond3A_158 = arith.cmpi ne, %convert_element_type3A_156, %cond3A_157 : i32
      scf.if %cond3A_158 {
        %add3A_207 = arith.constant 3 : i32
        %add3A_208 = arith.addi %while3A_151, %add3A_207 : i32
        %mul3A_209 = arith.constant 256 : i32
        %mul3A_210 = arith.muli %add3A_208, %mul3A_209 : i32
        %add3A_211 = arith.addi %shift_left3A_1, %mul3A_210 : i32
        %multiple_of3A = tpu.assume_multiple %add3A_211, 256 : i32
        %and3A_212 = arith.constant 3 : i32
        %and3A_213 = arith.andi %add3A_208, %and3A_212 : i32
        %dma_start3A = arith.constant 0 : i32
        %dma_start3A_214 = arith.constant 0 : i32
        %dma_start3A_215 = tpu.memref_slice %arg11[%and3A_213, %dma_start3A, %dma_start3A_214] : memref<4x64x256xf32, #tpu.memory_space<vmem>> -> memref<1x64x256xf32, #tpu.memory_space<vmem>>
        %dma_start3A_216 = tpu.memref_squeeze %dma_start3A_215 : memref<1x64x256xf32, #tpu.memory_space<vmem>> -> memref<64x256xf32, #tpu.memory_space<vmem>>
        %dma_start3A_217 = arith.constant 0 : i32
        %dma_start3A_218 = tpu.memref_slice %arg3[%dma_start3A_217, %multiple_of3A] : memref<64x1000000xf32, #tpu.memory_space<hbm>> -> memref<64x256xf32, #tpu.memory_space<hbm>>
        %dma_start3A_219 = arith.constant 0 : i32
        %dma_start3A_220 = arith.constant 0 : i32
        %dma_start3A_221 = tpu.memref_slice %arg11[%and3A_213, %dma_start3A_219, %dma_start3A_220] : memref<4x64x256xf32, #tpu.memory_space<vmem>> -> memref<1x64x256xf32, #tpu.memory_space<vmem>>
        %dma_start3A_222 = tpu.memref_squeeze %dma_start3A_221 : memref<1x64x256xf32, #tpu.memory_space<vmem>> -> memref<64x256xf32, #tpu.memory_space<vmem>>
        %dma_start3A_223 = arith.constant 0 : i32
        %dma_start3A_224 = tpu.memref_slice %arg3[%dma_start3A_223, %multiple_of3A] : memref<64x1000000xf32, #tpu.memory_space<hbm>> -> memref<64x256xf32, #tpu.memory_space<hbm>>
        tpu.enqueue_dma source(%dma_start3A_224 : memref<64x256xf32, #tpu.memory_space<hbm>>) target(%dma_start3A_222 : memref<64x256xf32, #tpu.memory_space<vmem>>) target_semaphore(%arg14 : memref<!tpu.dma_semaphore, #tpu.memory_space<semaphore_mem>>)
      } else {
      }
      %and3A = arith.constant 3 : i32
      %and3A_159 = arith.andi %while3A_151, %and3A : i32
      %dma_wait3A = arith.constant 0 : i32
      %dma_wait3A_160 = arith.constant 0 : i32
      %dma_wait3A_161 = tpu.memref_slice %arg11[%and3A_159, %dma_wait3A, %dma_wait3A_160] : memref<4x64x256xf32, #tpu.memory_space<vmem>> -> memref<1x64x256xf32, #tpu.memory_space<vmem>>
      %dma_wait3A_162 = tpu.memref_squeeze %dma_wait3A_161 : memref<1x64x256xf32, #tpu.memory_space<vmem>> -> memref<64x256xf32, #tpu.memory_space<vmem>>
      %dma_wait3A_163 = arith.constant 0 : i32
      %dma_wait3A_164 = arith.constant 0 : i32
      %dma_wait3A_165 = tpu.memref_slice %arg3[%dma_wait3A_163, %dma_wait3A_164] : memref<64x1000000xf32, #tpu.memory_space<hbm>> -> memref<64x256xf32, #tpu.memory_space<hbm>>
      %dma_wait3A_166 = arith.constant 0 : i32
      %dma_wait3A_167 = arith.constant 0 : i32
      %dma_wait3A_168 = tpu.memref_slice %arg11[%and3A_159, %dma_wait3A_166, %dma_wait3A_167] : memref<4x64x256xf32, #tpu.memory_space<vmem>> -> memref<1x64x256xf32, #tpu.memory_space<vmem>>
      %dma_wait3A_169 = tpu.memref_squeeze %dma_wait3A_168 : memref<1x64x256xf32, #tpu.memory_space<vmem>> -> memref<64x256xf32, #tpu.memory_space<vmem>>
      %dma_wait3A_170 = arith.constant 0 : i32
      %dma_wait3A_171 = arith.constant 0 : i32
      %dma_wait3A_172 = tpu.memref_slice %arg3[%dma_wait3A_170, %dma_wait3A_171] : memref<64x1000000xf32, #tpu.memory_space<hbm>> -> memref<64x256xf32, #tpu.memory_space<hbm>>
      tpu.wait_dma2 semaphore(%arg14 : memref<!tpu.dma_semaphore, #tpu.memory_space<semaphore_mem>>) src(%dma_wait3A_172 : memref<64x256xf32, #tpu.memory_space<hbm>>) dst(%dma_wait3A_169 : memref<64x256xf32, #tpu.memory_space<vmem>>)
      %broadcast_in_dim3A_173 = vector.broadcast %while3A_151 : i32 to vector<16xi32>
      %gather3A_174 = tpu.vector_load_idx %arg9[%broadcast_in_dim3A_173] : memref<144xi32, #tpu.memory_space<vmem>>[vector<16xi32>], vector<16xi32>,
      %eq3A_175 = arith.constant 0 : i32
      %eq3A_176 = vector.broadcast %eq3A_175 : i32 to vector<16xi32>
      %eq3A_177 = arith.cmpi eq, %iota3A, %eq3A_176 : vector<16xi32>
      %jit3A_178 = arith.constant 0 : i32
      %broadcast_in_dim3A_179 = vector.broadcast %jit3A_178 : i32 to vector<16xi32>
      %select_n3A_180 = arith.select %eq3A_177, %gather3A_174, %broadcast_in_dim3A_179 : vector<16xi1>, vector<16xi32>
      %reduce_sum3A_181 = arith.constant true
      %reduce_sum3A_182 = vector.broadcast %reduce_sum3A_181 : i1 to vector<16xi1>
      %reduce_sum3A_183 = tpu.scan <sum>, %select_n3A_180 masked %reduce_sum3A_182 : vector<16xi32>, vector<16xi1> -> vector<16xi32>
      %reduce_sum3A_184 = vector.extract %reduce_sum3A_183[15] : i32 from vector<16xi32>
      %gather3A_185 = tpu.vector_load_idx %arg8[%broadcast_in_dim3A_173] : memref<144xi32, #tpu.memory_space<vmem>>[vector<16xi32>], vector<16xi32>,
      %eq3A_186 = arith.constant 0 : i32
      %eq3A_187 = vector.broadcast %eq3A_186 : i32 to vector<16xi32>
      %eq3A_188 = arith.cmpi eq, %iota3A, %eq3A_187 : vector<16xi32>
      %jit3A_189 = arith.constant 0 : i32
      %broadcast_in_dim3A_190 = vector.broadcast %jit3A_189 : i32 to vector<16xi32>
      %select_n3A_191 = arith.select %eq3A_188, %gather3A_185, %broadcast_in_dim3A_190 : vector<16xi1>, vector<16xi32>
      %reduce_sum3A_192 = arith.constant true
      %reduce_sum3A_193 = vector.broadcast %reduce_sum3A_192 : i1 to vector<16xi1>
      %reduce_sum3A_194 = tpu.scan <sum>, %select_n3A_191 masked %reduce_sum3A_193 : vector<16xi32>, vector<16xi1> -> vector<16xi32>
      %reduce_sum3A_195 = vector.extract %reduce_sum3A_194[15] : i32 from vector<16xi32>
      %while3A_196 = arith.constant 0 : i32
      %while3A_197 = arith.subi %reduce_sum3A_195, %while3A_196 : i32
      %while3A_198 = arith.addi %while3A_196, %while3A_197 : i32
      %while3A_199 = arith.constant 1 : i32
      %while3A_200 = arith.divsi %while3A_197, %while3A_199 : i32
      %while3A_201 = arith.muli %while3A_200, %while3A_199 : i32
      %while3A_202 = arith.addi %while3A_196, %while3A_201 : i32
      %while3A_203 = arith.constant 1 : i32
      %while3A_204:2 = scf.for %while3A_207 = %while3A_196 to %while3A_202 step %while3A_203 iter_args(%while3A_208 = %while3A_152, %while3A_209 = %while3A_153) -> (i32, i32)  : i32 {
        %add3A_210 = arith.addi %reduce_sum3A_184, %while3A_207 : i32
        %shift_right_arithmetic3A_211 = arith.constant 4 : i32
        %shift_right_arithmetic3A_212 = arith.shrsi %add3A_210, %shift_right_arithmetic3A_211 : i32
        %mul3A_213 = arith.constant 16 : i32
        %mul3A_214 = arith.muli %shift_right_arithmetic3A_212, %mul3A_213 : i32
        %get3A = arith.index_cast %mul3A_214 : i32 to index
        %get3A_215 = tpu.vector_load %arg7[%get3A] {strides = array<i32>} : memref<16400xi32, #tpu.memory_space<vmem>>, vector<16xi32>,
        %and3A_216 = arith.constant 15 : i32
        %and3A_217 = arith.andi %add3A_210, %and3A_216 : i32
        %eq3A_218 = vector.broadcast %and3A_217 : i32 to vector<16xi32>
        %eq3A_219 = arith.cmpi eq, %iota3A, %eq3A_218 : vector<16xi32>
        %jit3A_220 = arith.constant 0 : i32
        %broadcast_in_dim3A_221 = vector.broadcast %jit3A_220 : i32 to vector<16xi32>
        %select_n3A_222 = arith.select %eq3A_219, %get3A_215, %broadcast_in_dim3A_221 : vector<16xi1>, vector<16xi32>
        %reduce_sum3A_223 = arith.constant true
        %reduce_sum3A_224 = vector.broadcast %reduce_sum3A_223 : i1 to vector<16xi1>
        %reduce_sum3A_225 = tpu.scan <sum>, %select_n3A_222 masked %reduce_sum3A_224 : vector<16xi32>, vector<16xi1> -> vector<16xi32>
        %reduce_sum3A_226 = vector.extract %reduce_sum3A_225[15] : i32 from vector<16xi32>
        %shift_right_arithmetic3A_227 = arith.constant 14 : i32
        %shift_right_arithmetic3A_228 = arith.shrsi %reduce_sum3A_226, %shift_right_arithmetic3A_227 : i32
        %and3A_229 = arith.constant 16383 : i32
        %and3A_230 = arith.andi %reduce_sum3A_226, %and3A_229 : i32
        %and3A_231 = arith.constant 63 : i32
        %and3A_232 = arith.andi %while3A_208, %and3A_231 : i32
        %and3A_233 = arith.constant 255 : i32
        %and3A_234 = arith.andi %shift_right_arithmetic3A_228, %and3A_233 : i32
        %broadcast_in_dim3A_235 = vector.broadcast %and3A_234 : i32 to vector<16xi32>
        %broadcast_in_dim3A_236 = vector.broadcast %and3A_159 : i32 to vector<16xi32>
        %add3A_237 = arith.constant 0 : i32
        %add3A_238 = vector.broadcast %add3A_237 : i32 to vector<16xi32>
        %add3A_239 = arith.addi %iota3A, %add3A_238 : vector<16xi32>
        %gather3A_240 = tpu.vector_load_idx %arg11[%broadcast_in_dim3A_236, %add3A_239, %broadcast_in_dim3A_235] : memref<4x64x256xf32, #tpu.memory_space<vmem>>[vector<16xi32>, vector<16xi32>, vector<16xi32>], vector<16xf32>,
        %swap3A_241 = arith.index_cast %and3A_232 : i32 to index
        %swap3A_242 = arith.constant 0 : index
        %swap3A_243 = tpu.vector_load %arg13[%swap3A_241, %swap3A_242] {strides = array<i32>} : memref<64x64xf32, #tpu.memory_space<vmem>>, vector<16xf32>,
        tpu.vector_store %arg13[%swap3A_241, %swap3A_242], %gather3A_240 {strides = array<i32>} : memref<64x64xf32, #tpu.memory_space<vmem>>, vector<16xf32>,
        %add3A_244 = arith.constant 16 : i32
        %add3A_245 = vector.broadcast %add3A_244 : i32 to vector<16xi32>
        %add3A_246 = arith.addi %iota3A, %add3A_245 : vector<16xi32>
        %gather3A_247 = tpu.vector_load_idx %arg11[%broadcast_in_dim3A_236, %add3A_246, %broadcast_in_dim3A_235] : memref<4x64x256xf32, #tpu.memory_space<vmem>>[vector<16xi32>, vector<16xi32>, vector<16xi32>], vector<16xf32>,
        %swap3A_248 = arith.index_cast %and3A_232 : i32 to index
        %swap3A_249 = arith.constant 16 : index
        %swap3A_250 = tpu.vector_load %arg13[%swap3A_248, %swap3A_249] {strides = array<i32>} : memref<64x64xf32, #tpu.memory_space<vmem>>, vector<16xf32>,
        tpu.vector_store %arg13[%swap3A_248, %swap3A_249], %gather3A_247 {strides = array<i32>} : memref<64x64xf32, #tpu.memory_space<vmem>>, vector<16xf32>,
        %add3A_251 = arith.constant 32 : i32
        %add3A_252 = vector.broadcast %add3A_251 : i32 to vector<16xi32>
        %add3A_253 = arith.addi %iota3A, %add3A_252 : vector<16xi32>
        %gather3A_254 = tpu.vector_load_idx %arg11[%broadcast_in_dim3A_236, %add3A_253, %broadcast_in_dim3A_235] : memref<4x64x256xf32, #tpu.memory_space<vmem>>[vector<16xi32>, vector<16xi32>, vector<16xi32>], vector<16xf32>,
        %swap3A_255 = arith.index_cast %and3A_232 : i32 to index
        %swap3A_256 = arith.constant 32 : index
        %swap3A_257 = tpu.vector_load %arg13[%swap3A_255, %swap3A_256] {strides = array<i32>} : memref<64x64xf32, #tpu.memory_space<vmem>>, vector<16xf32>,
        tpu.vector_store %arg13[%swap3A_255, %swap3A_256], %gather3A_254 {strides = array<i32>} : memref<64x64xf32, #tpu.memory_space<vmem>>, vector<16xf32>,
        %add3A_258 = arith.constant 48 : i32
        %add3A_259 = vector.broadcast %add3A_258 : i32 to vector<16xi32>
        %add3A_260 = arith.addi %iota3A, %add3A_259 : vector<16xi32>
        %gather3A_261 = tpu.vector_load_idx %arg11[%broadcast_in_dim3A_236, %add3A_260, %broadcast_in_dim3A_235] : memref<4x64x256xf32, #tpu.memory_space<vmem>>[vector<16xi32>, vector<16xi32>, vector<16xi32>], vector<16xf32>,
        %swap3A_262 = arith.index_cast %and3A_232 : i32 to index
        %swap3A_263 = arith.constant 48 : index
        %swap3A_264 = tpu.vector_load %arg13[%swap3A_262, %swap3A_263] {strides = array<i32>} : memref<64x64xf32, #tpu.memory_space<vmem>>, vector<16xf32>,
        tpu.vector_store %arg13[%swap3A_262, %swap3A_263], %gather3A_261 {strides = array<i32>} : memref<64x64xf32, #tpu.memory_space<vmem>>, vector<16xf32>,
        %mul3A_265 = arith.constant 64 : i32
        %mul3A_266 = arith.muli %and3A_230, %mul3A_265 : i32
        %dma_start3A = arith.constant 0 : i32
        %dma_start3A_267 = tpu.memref_slice %arg13[%and3A_232, %dma_start3A] : memref<64x64xf32, #tpu.memory_space<vmem>> -> memref<1x64xf32, #tpu.memory_space<vmem>>
        %dma_start3A_268 = tpu.memref_squeeze %dma_start3A_267 : memref<1x64xf32, #tpu.memory_space<vmem>> -> memref<64xf32, #tpu.memory_space<vmem>>
        %dma_start3A_269 = tpu.memref_slice %arg4[%mul3A_266] : memref<1048576xf32, #tpu.memory_space<hbm>> -> memref<64xf32, #tpu.memory_space<hbm>>
        %dma_start3A_270 = tpu.memref_slice %arg4[%mul3A_266] : memref<1048576xf32, #tpu.memory_space<hbm>> -> memref<64xf32, #tpu.memory_space<hbm>>
        %dma_start3A_271 = arith.constant 0 : i32
        %dma_start3A_272 = tpu.memref_slice %arg13[%and3A_232, %dma_start3A_271] : memref<64x64xf32, #tpu.memory_space<vmem>> -> memref<1x64xf32, #tpu.memory_space<vmem>>
        %dma_start3A_273 = tpu.memref_squeeze %dma_start3A_272 : memref<1x64xf32, #tpu.memory_space<vmem>> -> memref<64xf32, #tpu.memory_space<vmem>>
        tpu.enqueue_dma source(%dma_start3A_273 : memref<64xf32, #tpu.memory_space<vmem>>) target(%dma_start3A_270 : memref<64xf32, #tpu.memory_space<hbm>>) target_semaphore(%arg15 : memref<!tpu.dma_semaphore, #tpu.memory_space<semaphore_mem>>)
        %add3A_274 = arith.constant 1 : i32
        %add3A_275 = arith.addi %while3A_208, %add3A_274 : i32
        %gt3A_276 = arith.constant 64 : i32
        %gt3A_277 = arith.cmpi sgt, %add3A_275, %gt3A_276 : i32
        %convert_element_type3A_278 = arith.extui %gt3A_277 : i1 to i32
        %cond3A_279 = arith.constant 0 : i32
        %cond3A_280 = arith.cmpi ne, %convert_element_type3A_278, %cond3A_279 : i32
        scf.if %cond3A_280 {
          %dma_wait3A_285 = arith.constant 0 : i32
          %dma_wait3A_286 = arith.constant 0 : i32
          %dma_wait3A_287 = tpu.memref_slice %arg13[%dma_wait3A_285, %dma_wait3A_286] : memref<64x64xf32, #tpu.memory_space<vmem>> -> memref<1x64xf32, #tpu.memory_space<vmem>>
          %dma_wait3A_288 = tpu.memref_squeeze %dma_wait3A_287 : memref<1x64xf32, #tpu.memory_space<vmem>> -> memref<64xf32, #tpu.memory_space<vmem>>
          %dma_wait3A_289 = arith.constant 0 : i32
          %dma_wait3A_290 = tpu.memref_slice %arg4[%dma_wait3A_289] : memref<1048576xf32, #tpu.memory_space<hbm>> -> memref<64xf32, #tpu.memory_space<hbm>>
          %dma_wait3A_291 = arith.constant 0 : i32
          %dma_wait3A_292 = tpu.memref_slice %arg13[%dma_wait3A_285, %dma_wait3A_291] : memref<64x64xf32, #tpu.memory_space<vmem>> -> memref<1x64xf32, #tpu.memory_space<vmem>>
          %dma_wait3A_293 = tpu.memref_squeeze %dma_wait3A_292 : memref<1x64xf32, #tpu.memory_space<vmem>> -> memref<64xf32, #tpu.memory_space<vmem>>
          %dma_wait3A_294 = arith.constant 0 : i32
          %dma_wait3A_295 = tpu.memref_slice %arg4[%dma_wait3A_294] : memref<1048576xf32, #tpu.memory_space<hbm>> -> memref<64xf32, #tpu.memory_space<hbm>>
          tpu.wait_dma2 semaphore(%arg15 : memref<!tpu.dma_semaphore, #tpu.memory_space<semaphore_mem>>) src(%dma_wait3A_295 : memref<64xf32, #tpu.memory_space<hbm>>) dst(%dma_wait3A_293 : memref<64xf32, #tpu.memory_space<vmem>>)
        } else {
        }
        %jit3A_281 = arith.constant 1 : i32
        %jit3A_282 = arith.constant 0 : i32
        %select_n3A_283 = arith.select %gt3A_277, %jit3A_281, %jit3A_282 : i32
        %add3A_284 = arith.addi %while3A_209, %select_n3A_283 : i32
        scf.yield %add3A_275, %add3A_284 : i32, i32
      }
      %while3A_205 = arith.constant 1 : i32
      %while3A_206:2 = scf.for %while3A_207 = %while3A_202 to %while3A_198 step %while3A_205 iter_args(%while3A_208 = %while3A_204#0, %while3A_209 = %while3A_204#1) -> (i32, i32)  : i32 {
        %add3A_210 = arith.addi %reduce_sum3A_184, %while3A_207 : i32
        %shift_right_arithmetic3A_211 = arith.constant 4 : i32
        %shift_right_arithmetic3A_212 = arith.shrsi %add3A_210, %shift_right_arithmetic3A_211 : i32
        %mul3A_213 = arith.constant 16 : i32
        %mul3A_214 = arith.muli %shift_right_arithmetic3A_212, %mul3A_213 : i32
        %get3A = arith.index_cast %mul3A_214 : i32 to index
        %get3A_215 = tpu.vector_load %arg7[%get3A] {strides = array<i32>} : memref<16400xi32, #tpu.memory_space<vmem>>, vector<16xi32>,
        %and3A_216 = arith.constant 15 : i32
        %and3A_217 = arith.andi %add3A_210, %and3A_216 : i32
        %eq3A_218 = vector.broadcast %and3A_217 : i32 to vector<16xi32>
        %eq3A_219 = arith.cmpi eq, %iota3A, %eq3A_218 : vector<16xi32>
        %jit3A_220 = arith.constant 0 : i32
        %broadcast_in_dim3A_221 = vector.broadcast %jit3A_220 : i32 to vector<16xi32>
        %select_n3A_222 = arith.select %eq3A_219, %get3A_215, %broadcast_in_dim3A_221 : vector<16xi1>, vector<16xi32>
        %reduce_sum3A_223 = arith.constant true
        %reduce_sum3A_224 = vector.broadcast %reduce_sum3A_223 : i1 to vector<16xi1>
        %reduce_sum3A_225 = tpu.scan <sum>, %select_n3A_222 masked %reduce_sum3A_224 : vector<16xi32>, vector<16xi1> -> vector<16xi32>
        %reduce_sum3A_226 = vector.extract %reduce_sum3A_225[15] : i32 from vector<16xi32>
        %shift_right_arithmetic3A_227 = arith.constant 14 : i32
        %shift_right_arithmetic3A_228 = arith.shrsi %reduce_sum3A_226, %shift_right_arithmetic3A_227 : i32
        %and3A_229 = arith.constant 16383 : i32
        %and3A_230 = arith.andi %reduce_sum3A_226, %and3A_229 : i32
        %and3A_231 = arith.constant 63 : i32
        %and3A_232 = arith.andi %while3A_208, %and3A_231 : i32
        %and3A_233 = arith.constant 255 : i32
        %and3A_234 = arith.andi %shift_right_arithmetic3A_228, %and3A_233 : i32
        %broadcast_in_dim3A_235 = vector.broadcast %and3A_234 : i32 to vector<16xi32>
        %broadcast_in_dim3A_236 = vector.broadcast %and3A_159 : i32 to vector<16xi32>
        %add3A_237 = arith.constant 0 : i32
        %add3A_238 = vector.broadcast %add3A_237 : i32 to vector<16xi32>
        %add3A_239 = arith.addi %iota3A, %add3A_238 : vector<16xi32>
        %gather3A_240 = tpu.vector_load_idx %arg11[%broadcast_in_dim3A_236, %add3A_239, %broadcast_in_dim3A_235] : memref<4x64x256xf32, #tpu.memory_space<vmem>>[vector<16xi32>, vector<16xi32>, vector<16xi32>], vector<16xf32>,
        %swap3A_241 = arith.index_cast %and3A_232 : i32 to index
        %swap3A_242 = arith.constant 0 : index
        %swap3A_243 = tpu.vector_load %arg13[%swap3A_241, %swap3A_242] {strides = array<i32>} : memref<64x64xf32, #tpu.memory_space<vmem>>, vector<16xf32>,
        tpu.vector_store %arg13[%swap3A_241, %swap3A_242], %gather3A_240 {strides = array<i32>} : memref<64x64xf32, #tpu.memory_space<vmem>>, vector<16xf32>,
        %add3A_244 = arith.constant 16 : i32
        %add3A_245 = vector.broadcast %add3A_244 : i32 to vector<16xi32>
        %add3A_246 = arith.addi %iota3A, %add3A_245 : vector<16xi32>
        %gather3A_247 = tpu.vector_load_idx %arg11[%broadcast_in_dim3A_236, %add3A_246, %broadcast_in_dim3A_235] : memref<4x64x256xf32, #tpu.memory_space<vmem>>[vector<16xi32>, vector<16xi32>, vector<16xi32>], vector<16xf32>,
        %swap3A_248 = arith.index_cast %and3A_232 : i32 to index
        %swap3A_249 = arith.constant 16 : index
        %swap3A_250 = tpu.vector_load %arg13[%swap3A_248, %swap3A_249] {strides = array<i32>} : memref<64x64xf32, #tpu.memory_space<vmem>>, vector<16xf32>,
        tpu.vector_store %arg13[%swap3A_248, %swap3A_249], %gather3A_247 {strides = array<i32>} : memref<64x64xf32, #tpu.memory_space<vmem>>, vector<16xf32>,
        %add3A_251 = arith.constant 32 : i32
        %add3A_252 = vector.broadcast %add3A_251 : i32 to vector<16xi32>
        %add3A_253 = arith.addi %iota3A, %add3A_252 : vector<16xi32>
        %gather3A_254 = tpu.vector_load_idx %arg11[%broadcast_in_dim3A_236, %add3A_253, %broadcast_in_dim3A_235] : memref<4x64x256xf32, #tpu.memory_space<vmem>>[vector<16xi32>, vector<16xi32>, vector<16xi32>], vector<16xf32>,
        %swap3A_255 = arith.index_cast %and3A_232 : i32 to index
        %swap3A_256 = arith.constant 32 : index
        %swap3A_257 = tpu.vector_load %arg13[%swap3A_255, %swap3A_256] {strides = array<i32>} : memref<64x64xf32, #tpu.memory_space<vmem>>, vector<16xf32>,
        tpu.vector_store %arg13[%swap3A_255, %swap3A_256], %gather3A_254 {strides = array<i32>} : memref<64x64xf32, #tpu.memory_space<vmem>>, vector<16xf32>,
        %add3A_258 = arith.constant 48 : i32
        %add3A_259 = vector.broadcast %add3A_258 : i32 to vector<16xi32>
        %add3A_260 = arith.addi %iota3A, %add3A_259 : vector<16xi32>
        %gather3A_261 = tpu.vector_load_idx %arg11[%broadcast_in_dim3A_236, %add3A_260, %broadcast_in_dim3A_235] : memref<4x64x256xf32, #tpu.memory_space<vmem>>[vector<16xi32>, vector<16xi32>, vector<16xi32>], vector<16xf32>,
        %swap3A_262 = arith.index_cast %and3A_232 : i32 to index
        %swap3A_263 = arith.constant 48 : index
        %swap3A_264 = tpu.vector_load %arg13[%swap3A_262, %swap3A_263] {strides = array<i32>} : memref<64x64xf32, #tpu.memory_space<vmem>>, vector<16xf32>,
        tpu.vector_store %arg13[%swap3A_262, %swap3A_263], %gather3A_261 {strides = array<i32>} : memref<64x64xf32, #tpu.memory_space<vmem>>, vector<16xf32>,
        %mul3A_265 = arith.constant 64 : i32
        %mul3A_266 = arith.muli %and3A_230, %mul3A_265 : i32
        %dma_start3A = arith.constant 0 : i32
        %dma_start3A_267 = tpu.memref_slice %arg13[%and3A_232, %dma_start3A] : memref<64x64xf32, #tpu.memory_space<vmem>> -> memref<1x64xf32, #tpu.memory_space<vmem>>
        %dma_start3A_268 = tpu.memref_squeeze %dma_start3A_267 : memref<1x64xf32, #tpu.memory_space<vmem>> -> memref<64xf32, #tpu.memory_space<vmem>>
        %dma_start3A_269 = tpu.memref_slice %arg4[%mul3A_266] : memref<1048576xf32, #tpu.memory_space<hbm>> -> memref<64xf32, #tpu.memory_space<hbm>>
        %dma_start3A_270 = tpu.memref_slice %arg4[%mul3A_266] : memref<1048576xf32, #tpu.memory_space<hbm>> -> memref<64xf32, #tpu.memory_space<hbm>>
        %dma_start3A_271 = arith.constant 0 : i32
        %dma_start3A_272 = tpu.memref_slice %arg13[%and3A_232, %dma_start3A_271] : memref<64x64xf32, #tpu.memory_space<vmem>> -> memref<1x64xf32, #tpu.memory_space<vmem>>
        %dma_start3A_273 = tpu.memref_squeeze %dma_start3A_272 : memref<1x64xf32, #tpu.memory_space<vmem>> -> memref<64xf32, #tpu.memory_space<vmem>>
        tpu.enqueue_dma source(%dma_start3A_273 : memref<64xf32, #tpu.memory_space<vmem>>) target(%dma_start3A_270 : memref<64xf32, #tpu.memory_space<hbm>>) target_semaphore(%arg15 : memref<!tpu.dma_semaphore, #tpu.memory_space<semaphore_mem>>)
        %add3A_274 = arith.constant 1 : i32
        %add3A_275 = arith.addi %while3A_208, %add3A_274 : i32
        %gt3A_276 = arith.constant 64 : i32
        %gt3A_277 = arith.cmpi sgt, %add3A_275, %gt3A_276 : i32
        %convert_element_type3A_278 = arith.extui %gt3A_277 : i1 to i32
        %cond3A_279 = arith.constant 0 : i32
        %cond3A_280 = arith.cmpi ne, %convert_element_type3A_278, %cond3A_279 : i32
        scf.if %cond3A_280 {
          %dma_wait3A_285 = arith.constant 0 : i32
          %dma_wait3A_286 = arith.constant 0 : i32
          %dma_wait3A_287 = tpu.memref_slice %arg13[%dma_wait3A_285, %dma_wait3A_286] : memref<64x64xf32, #tpu.memory_space<vmem>> -> memref<1x64xf32, #tpu.memory_space<vmem>>
          %dma_wait3A_288 = tpu.memref_squeeze %dma_wait3A_287 : memref<1x64xf32, #tpu.memory_space<vmem>> -> memref<64xf32, #tpu.memory_space<vmem>>
          %dma_wait3A_289 = arith.constant 0 : i32
          %dma_wait3A_290 = tpu.memref_slice %arg4[%dma_wait3A_289] : memref<1048576xf32, #tpu.memory_space<hbm>> -> memref<64xf32, #tpu.memory_space<hbm>>
          %dma_wait3A_291 = arith.constant 0 : i32
          %dma_wait3A_292 = tpu.memref_slice %arg13[%dma_wait3A_285, %dma_wait3A_291] : memref<64x64xf32, #tpu.memory_space<vmem>> -> memref<1x64xf32, #tpu.memory_space<vmem>>
          %dma_wait3A_293 = tpu.memref_squeeze %dma_wait3A_292 : memref<1x64xf32, #tpu.memory_space<vmem>> -> memref<64xf32, #tpu.memory_space<vmem>>
          %dma_wait3A_294 = arith.constant 0 : i32
          %dma_wait3A_295 = tpu.memref_slice %arg4[%dma_wait3A_294] : memref<1048576xf32, #tpu.memory_space<hbm>> -> memref<64xf32, #tpu.memory_space<hbm>>
          tpu.wait_dma2 semaphore(%arg15 : memref<!tpu.dma_semaphore, #tpu.memory_space<semaphore_mem>>) src(%dma_wait3A_295 : memref<64xf32, #tpu.memory_space<hbm>>) dst(%dma_wait3A_293 : memref<64xf32, #tpu.memory_space<vmem>>)
        } else {
        }
        %jit3A_281 = arith.constant 1 : i32
        %jit3A_282 = arith.constant 0 : i32
        %select_n3A_283 = arith.select %gt3A_277, %jit3A_281, %jit3A_282 : i32
        %add3A_284 = arith.addi %while3A_209, %select_n3A_283 : i32
        scf.yield %add3A_275, %add3A_284 : i32, i32
      }
      scf.yield %while3A_206#0, %while3A_206#1 : i32, i32
    }
    %while3A_103 = arith.constant 1 : i32
    %while3A_104:2 = scf.for %while3A_151 = %while3A_100 to %while3A_96 step %while3A_103 iter_args(%while3A_152 = %while3A_102#0, %while3A_153 = %while3A_102#1) -> (i32, i32)  : i32 {
      %add3A_154 = arith.constant 3 : i32
      %add3A_155 = arith.addi %while3A_151, %add3A_154 : i32
      %lt3A = arith.cmpi slt, %add3A_155, %min3A_79 : i32
      %convert_element_type3A_156 = arith.extui %lt3A : i1 to i32
      %cond3A_157 = arith.constant 0 : i32
      %cond3A_158 = arith.cmpi ne, %convert_element_type3A_156, %cond3A_157 : i32
      scf.if %cond3A_158 {
        %add3A_207 = arith.constant 3 : i32
        %add3A_208 = arith.addi %while3A_151, %add3A_207 : i32
        %mul3A_209 = arith.constant 256 : i32
        %mul3A_210 = arith.muli %add3A_208, %mul3A_209 : i32
        %add3A_211 = arith.addi %shift_left3A_1, %mul3A_210 : i32
        %multiple_of3A = tpu.assume_multiple %add3A_211, 256 : i32
        %and3A_212 = arith.constant 3 : i32
        %and3A_213 = arith.andi %add3A_208, %and3A_212 : i32
        %dma_start3A = arith.constant 0 : i32
        %dma_start3A_214 = arith.constant 0 : i32
        %dma_start3A_215 = tpu.memref_slice %arg11[%and3A_213, %dma_start3A, %dma_start3A_214] : memref<4x64x256xf32, #tpu.memory_space<vmem>> -> memref<1x64x256xf32, #tpu.memory_space<vmem>>
        %dma_start3A_216 = tpu.memref_squeeze %dma_start3A_215 : memref<1x64x256xf32, #tpu.memory_space<vmem>> -> memref<64x256xf32, #tpu.memory_space<vmem>>
        %dma_start3A_217 = arith.constant 0 : i32
        %dma_start3A_218 = tpu.memref_slice %arg3[%dma_start3A_217, %multiple_of3A] : memref<64x1000000xf32, #tpu.memory_space<hbm>> -> memref<64x256xf32, #tpu.memory_space<hbm>>
        %dma_start3A_219 = arith.constant 0 : i32
        %dma_start3A_220 = arith.constant 0 : i32
        %dma_start3A_221 = tpu.memref_slice %arg11[%and3A_213, %dma_start3A_219, %dma_start3A_220] : memref<4x64x256xf32, #tpu.memory_space<vmem>> -> memref<1x64x256xf32, #tpu.memory_space<vmem>>
        %dma_start3A_222 = tpu.memref_squeeze %dma_start3A_221 : memref<1x64x256xf32, #tpu.memory_space<vmem>> -> memref<64x256xf32, #tpu.memory_space<vmem>>
        %dma_start3A_223 = arith.constant 0 : i32
        %dma_start3A_224 = tpu.memref_slice %arg3[%dma_start3A_223, %multiple_of3A] : memref<64x1000000xf32, #tpu.memory_space<hbm>> -> memref<64x256xf32, #tpu.memory_space<hbm>>
        tpu.enqueue_dma source(%dma_start3A_224 : memref<64x256xf32, #tpu.memory_space<hbm>>) target(%dma_start3A_222 : memref<64x256xf32, #tpu.memory_space<vmem>>) target_semaphore(%arg14 : memref<!tpu.dma_semaphore, #tpu.memory_space<semaphore_mem>>)
      } else {
      }
      %and3A = arith.constant 3 : i32
      %and3A_159 = arith.andi %while3A_151, %and3A : i32
      %dma_wait3A = arith.constant 0 : i32
      %dma_wait3A_160 = arith.constant 0 : i32
      %dma_wait3A_161 = tpu.memref_slice %arg11[%and3A_159, %dma_wait3A, %dma_wait3A_160] : memref<4x64x256xf32, #tpu.memory_space<vmem>> -> memref<1x64x256xf32, #tpu.memory_space<vmem>>
      %dma_wait3A_162 = tpu.memref_squeeze %dma_wait3A_161 : memref<1x64x256xf32, #tpu.memory_space<vmem>> -> memref<64x256xf32, #tpu.memory_space<vmem>>
      %dma_wait3A_163 = arith.constant 0 : i32
      %dma_wait3A_164 = arith.constant 0 : i32
      %dma_wait3A_165 = tpu.memref_slice %arg3[%dma_wait3A_163, %dma_wait3A_164] : memref<64x1000000xf32, #tpu.memory_space<hbm>> -> memref<64x256xf32, #tpu.memory_space<hbm>>
      %dma_wait3A_166 = arith.constant 0 : i32
      %dma_wait3A_167 = arith.constant 0 : i32
      %dma_wait3A_168 = tpu.memref_slice %arg11[%and3A_159, %dma_wait3A_166, %dma_wait3A_167] : memref<4x64x256xf32, #tpu.memory_space<vmem>> -> memref<1x64x256xf32, #tpu.memory_space<vmem>>
      %dma_wait3A_169 = tpu.memref_squeeze %dma_wait3A_168 : memref<1x64x256xf32, #tpu.memory_space<vmem>> -> memref<64x256xf32, #tpu.memory_space<vmem>>
      %dma_wait3A_170 = arith.constant 0 : i32
      %dma_wait3A_171 = arith.constant 0 : i32
      %dma_wait3A_172 = tpu.memref_slice %arg3[%dma_wait3A_170, %dma_wait3A_171] : memref<64x1000000xf32, #tpu.memory_space<hbm>> -> memref<64x256xf32, #tpu.memory_space<hbm>>
      tpu.wait_dma2 semaphore(%arg14 : memref<!tpu.dma_semaphore, #tpu.memory_space<semaphore_mem>>) src(%dma_wait3A_172 : memref<64x256xf32, #tpu.memory_space<hbm>>) dst(%dma_wait3A_169 : memref<64x256xf32, #tpu.memory_space<vmem>>)
      %broadcast_in_dim3A_173 = vector.broadcast %while3A_151 : i32 to vector<16xi32>
      %gather3A_174 = tpu.vector_load_idx %arg9[%broadcast_in_dim3A_173] : memref<144xi32, #tpu.memory_space<vmem>>[vector<16xi32>], vector<16xi32>,
      %eq3A_175 = arith.constant 0 : i32
      %eq3A_176 = vector.broadcast %eq3A_175 : i32 to vector<16xi32>
      %eq3A_177 = arith.cmpi eq, %iota3A, %eq3A_176 : vector<16xi32>
      %jit3A_178 = arith.constant 0 : i32
      %broadcast_in_dim3A_179 = vector.broadcast %jit3A_178 : i32 to vector<16xi32>
      %select_n3A_180 = arith.select %eq3A_177, %gather3A_174, %broadcast_in_dim3A_179 : vector<16xi1>, vector<16xi32>
      %reduce_sum3A_181 = arith.constant true
      %reduce_sum3A_182 = vector.broadcast %reduce_sum3A_181 : i1 to vector<16xi1>
      %reduce_sum3A_183 = tpu.scan <sum>, %select_n3A_180 masked %reduce_sum3A_182 : vector<16xi32>, vector<16xi1> -> vector<16xi32>
      %reduce_sum3A_184 = vector.extract %reduce_sum3A_183[15] : i32 from vector<16xi32>
      %gather3A_185 = tpu.vector_load_idx %arg8[%broadcast_in_dim3A_173] : memref<144xi32, #tpu.memory_space<vmem>>[vector<16xi32>], vector<16xi32>,
      %eq3A_186 = arith.constant 0 : i32
      %eq3A_187 = vector.broadcast %eq3A_186 : i32 to vector<16xi32>
      %eq3A_188 = arith.cmpi eq, %iota3A, %eq3A_187 : vector<16xi32>
      %jit3A_189 = arith.constant 0 : i32
      %broadcast_in_dim3A_190 = vector.broadcast %jit3A_189 : i32 to vector<16xi32>
      %select_n3A_191 = arith.select %eq3A_188, %gather3A_185, %broadcast_in_dim3A_190 : vector<16xi1>, vector<16xi32>
      %reduce_sum3A_192 = arith.constant true
      %reduce_sum3A_193 = vector.broadcast %reduce_sum3A_192 : i1 to vector<16xi1>
      %reduce_sum3A_194 = tpu.scan <sum>, %select_n3A_191 masked %reduce_sum3A_193 : vector<16xi32>, vector<16xi1> -> vector<16xi32>
      %reduce_sum3A_195 = vector.extract %reduce_sum3A_194[15] : i32 from vector<16xi32>
      %while3A_196 = arith.constant 0 : i32
      %while3A_197 = arith.subi %reduce_sum3A_195, %while3A_196 : i32
      %while3A_198 = arith.addi %while3A_196, %while3A_197 : i32
      %while3A_199 = arith.constant 1 : i32
      %while3A_200 = arith.divsi %while3A_197, %while3A_199 : i32
      %while3A_201 = arith.muli %while3A_200, %while3A_199 : i32
      %while3A_202 = arith.addi %while3A_196, %while3A_201 : i32
      %while3A_203 = arith.constant 1 : i32
      %while3A_204:2 = scf.for %while3A_207 = %while3A_196 to %while3A_202 step %while3A_203 iter_args(%while3A_208 = %while3A_152, %while3A_209 = %while3A_153) -> (i32, i32)  : i32 {
        %add3A_210 = arith.addi %reduce_sum3A_184, %while3A_207 : i32
        %shift_right_arithmetic3A_211 = arith.constant 4 : i32
        %shift_right_arithmetic3A_212 = arith.shrsi %add3A_210, %shift_right_arithmetic3A_211 : i32
        %mul3A_213 = arith.constant 16 : i32
        %mul3A_214 = arith.muli %shift_right_arithmetic3A_212, %mul3A_213 : i32
        %get3A = arith.index_cast %mul3A_214 : i32 to index
        %get3A_215 = tpu.vector_load %arg7[%get3A] {strides = array<i32>} : memref<16400xi32, #tpu.memory_space<vmem>>, vector<16xi32>,
        %and3A_216 = arith.constant 15 : i32
        %and3A_217 = arith.andi %add3A_210, %and3A_216 : i32
        %eq3A_218 = vector.broadcast %and3A_217 : i32 to vector<16xi32>
        %eq3A_219 = arith.cmpi eq, %iota3A, %eq3A_218 : vector<16xi32>
        %jit3A_220 = arith.constant 0 : i32
        %broadcast_in_dim3A_221 = vector.broadcast %jit3A_220 : i32 to vector<16xi32>
        %select_n3A_222 = arith.select %eq3A_219, %get3A_215, %broadcast_in_dim3A_221 : vector<16xi1>, vector<16xi32>
        %reduce_sum3A_223 = arith.constant true
        %reduce_sum3A_224 = vector.broadcast %reduce_sum3A_223 : i1 to vector<16xi1>
        %reduce_sum3A_225 = tpu.scan <sum>, %select_n3A_222 masked %reduce_sum3A_224 : vector<16xi32>, vector<16xi1> -> vector<16xi32>
        %reduce_sum3A_226 = vector.extract %reduce_sum3A_225[15] : i32 from vector<16xi32>
        %shift_right_arithmetic3A_227 = arith.constant 14 : i32
        %shift_right_arithmetic3A_228 = arith.shrsi %reduce_sum3A_226, %shift_right_arithmetic3A_227 : i32
        %and3A_229 = arith.constant 16383 : i32
        %and3A_230 = arith.andi %reduce_sum3A_226, %and3A_229 : i32
        %and3A_231 = arith.constant 63 : i32
        %and3A_232 = arith.andi %while3A_208, %and3A_231 : i32
        %and3A_233 = arith.constant 255 : i32
        %and3A_234 = arith.andi %shift_right_arithmetic3A_228, %and3A_233 : i32
        %broadcast_in_dim3A_235 = vector.broadcast %and3A_234 : i32 to vector<16xi32>
        %broadcast_in_dim3A_236 = vector.broadcast %and3A_159 : i32 to vector<16xi32>
        %add3A_237 = arith.constant 0 : i32
        %add3A_238 = vector.broadcast %add3A_237 : i32 to vector<16xi32>
        %add3A_239 = arith.addi %iota3A, %add3A_238 : vector<16xi32>
        %gather3A_240 = tpu.vector_load_idx %arg11[%broadcast_in_dim3A_236, %add3A_239, %broadcast_in_dim3A_235] : memref<4x64x256xf32, #tpu.memory_space<vmem>>[vector<16xi32>, vector<16xi32>, vector<16xi32>], vector<16xf32>,
        %swap3A_241 = arith.index_cast %and3A_232 : i32 to index
        %swap3A_242 = arith.constant 0 : index
        %swap3A_243 = tpu.vector_load %arg13[%swap3A_241, %swap3A_242] {strides = array<i32>} : memref<64x64xf32, #tpu.memory_space<vmem>>, vector<16xf32>,
        tpu.vector_store %arg13[%swap3A_241, %swap3A_242], %gather3A_240 {strides = array<i32>} : memref<64x64xf32, #tpu.memory_space<vmem>>, vector<16xf32>,
        %add3A_244 = arith.constant 16 : i32
        %add3A_245 = vector.broadcast %add3A_244 : i32 to vector<16xi32>
        %add3A_246 = arith.addi %iota3A, %add3A_245 : vector<16xi32>
        %gather3A_247 = tpu.vector_load_idx %arg11[%broadcast_in_dim3A_236, %add3A_246, %broadcast_in_dim3A_235] : memref<4x64x256xf32, #tpu.memory_space<vmem>>[vector<16xi32>, vector<16xi32>, vector<16xi32>], vector<16xf32>,
        %swap3A_248 = arith.index_cast %and3A_232 : i32 to index
        %swap3A_249 = arith.constant 16 : index
        %swap3A_250 = tpu.vector_load %arg13[%swap3A_248, %swap3A_249] {strides = array<i32>} : memref<64x64xf32, #tpu.memory_space<vmem>>, vector<16xf32>,
        tpu.vector_store %arg13[%swap3A_248, %swap3A_249], %gather3A_247 {strides = array<i32>} : memref<64x64xf32, #tpu.memory_space<vmem>>, vector<16xf32>,
        %add3A_251 = arith.constant 32 : i32
        %add3A_252 = vector.broadcast %add3A_251 : i32 to vector<16xi32>
        %add3A_253 = arith.addi %iota3A, %add3A_252 : vector<16xi32>
        %gather3A_254 = tpu.vector_load_idx %arg11[%broadcast_in_dim3A_236, %add3A_253, %broadcast_in_dim3A_235] : memref<4x64x256xf32, #tpu.memory_space<vmem>>[vector<16xi32>, vector<16xi32>, vector<16xi32>], vector<16xf32>,
        %swap3A_255 = arith.index_cast %and3A_232 : i32 to index
        %swap3A_256 = arith.constant 32 : index
        %swap3A_257 = tpu.vector_load %arg13[%swap3A_255, %swap3A_256] {strides = array<i32>} : memref<64x64xf32, #tpu.memory_space<vmem>>, vector<16xf32>,
        tpu.vector_store %arg13[%swap3A_255, %swap3A_256], %gather3A_254 {strides = array<i32>} : memref<64x64xf32, #tpu.memory_space<vmem>>, vector<16xf32>,
        %add3A_258 = arith.constant 48 : i32
        %add3A_259 = vector.broadcast %add3A_258 : i32 to vector<16xi32>
        %add3A_260 = arith.addi %iota3A, %add3A_259 : vector<16xi32>
        %gather3A_261 = tpu.vector_load_idx %arg11[%broadcast_in_dim3A_236, %add3A_260, %broadcast_in_dim3A_235] : memref<4x64x256xf32, #tpu.memory_space<vmem>>[vector<16xi32>, vector<16xi32>, vector<16xi32>], vector<16xf32>,
        %swap3A_262 = arith.index_cast %and3A_232 : i32 to index
        %swap3A_263 = arith.constant 48 : index
        %swap3A_264 = tpu.vector_load %arg13[%swap3A_262, %swap3A_263] {strides = array<i32>} : memref<64x64xf32, #tpu.memory_space<vmem>>, vector<16xf32>,
        tpu.vector_store %arg13[%swap3A_262, %swap3A_263], %gather3A_261 {strides = array<i32>} : memref<64x64xf32, #tpu.memory_space<vmem>>, vector<16xf32>,
        %mul3A_265 = arith.constant 64 : i32
        %mul3A_266 = arith.muli %and3A_230, %mul3A_265 : i32
        %dma_start3A = arith.constant 0 : i32
        %dma_start3A_267 = tpu.memref_slice %arg13[%and3A_232, %dma_start3A] : memref<64x64xf32, #tpu.memory_space<vmem>> -> memref<1x64xf32, #tpu.memory_space<vmem>>
        %dma_start3A_268 = tpu.memref_squeeze %dma_start3A_267 : memref<1x64xf32, #tpu.memory_space<vmem>> -> memref<64xf32, #tpu.memory_space<vmem>>
        %dma_start3A_269 = tpu.memref_slice %arg4[%mul3A_266] : memref<1048576xf32, #tpu.memory_space<hbm>> -> memref<64xf32, #tpu.memory_space<hbm>>
        %dma_start3A_270 = tpu.memref_slice %arg4[%mul3A_266] : memref<1048576xf32, #tpu.memory_space<hbm>> -> memref<64xf32, #tpu.memory_space<hbm>>
        %dma_start3A_271 = arith.constant 0 : i32
        %dma_start3A_272 = tpu.memref_slice %arg13[%and3A_232, %dma_start3A_271] : memref<64x64xf32, #tpu.memory_space<vmem>> -> memref<1x64xf32, #tpu.memory_space<vmem>>
        %dma_start3A_273 = tpu.memref_squeeze %dma_start3A_272 : memref<1x64xf32, #tpu.memory_space<vmem>> -> memref<64xf32, #tpu.memory_space<vmem>>
        tpu.enqueue_dma source(%dma_start3A_273 : memref<64xf32, #tpu.memory_space<vmem>>) target(%dma_start3A_270 : memref<64xf32, #tpu.memory_space<hbm>>) target_semaphore(%arg15 : memref<!tpu.dma_semaphore, #tpu.memory_space<semaphore_mem>>)
        %add3A_274 = arith.constant 1 : i32
        %add3A_275 = arith.addi %while3A_208, %add3A_274 : i32
        %gt3A_276 = arith.constant 64 : i32
        %gt3A_277 = arith.cmpi sgt, %add3A_275, %gt3A_276 : i32
        %convert_element_type3A_278 = arith.extui %gt3A_277 : i1 to i32
        %cond3A_279 = arith.constant 0 : i32
        %cond3A_280 = arith.cmpi ne, %convert_element_type3A_278, %cond3A_279 : i32
        scf.if %cond3A_280 {
          %dma_wait3A_285 = arith.constant 0 : i32
          %dma_wait3A_286 = arith.constant 0 : i32
          %dma_wait3A_287 = tpu.memref_slice %arg13[%dma_wait3A_285, %dma_wait3A_286] : memref<64x64xf32, #tpu.memory_space<vmem>> -> memref<1x64xf32, #tpu.memory_space<vmem>>
          %dma_wait3A_288 = tpu.memref_squeeze %dma_wait3A_287 : memref<1x64xf32, #tpu.memory_space<vmem>> -> memref<64xf32, #tpu.memory_space<vmem>>
          %dma_wait3A_289 = arith.constant 0 : i32
          %dma_wait3A_290 = tpu.memref_slice %arg4[%dma_wait3A_289] : memref<1048576xf32, #tpu.memory_space<hbm>> -> memref<64xf32, #tpu.memory_space<hbm>>
          %dma_wait3A_291 = arith.constant 0 : i32
          %dma_wait3A_292 = tpu.memref_slice %arg13[%dma_wait3A_285, %dma_wait3A_291] : memref<64x64xf32, #tpu.memory_space<vmem>> -> memref<1x64xf32, #tpu.memory_space<vmem>>
          %dma_wait3A_293 = tpu.memref_squeeze %dma_wait3A_292 : memref<1x64xf32, #tpu.memory_space<vmem>> -> memref<64xf32, #tpu.memory_space<vmem>>
          %dma_wait3A_294 = arith.constant 0 : i32
          %dma_wait3A_295 = tpu.memref_slice %arg4[%dma_wait3A_294] : memref<1048576xf32, #tpu.memory_space<hbm>> -> memref<64xf32, #tpu.memory_space<hbm>>
          tpu.wait_dma2 semaphore(%arg15 : memref<!tpu.dma_semaphore, #tpu.memory_space<semaphore_mem>>) src(%dma_wait3A_295 : memref<64xf32, #tpu.memory_space<hbm>>) dst(%dma_wait3A_293 : memref<64xf32, #tpu.memory_space<vmem>>)
        } else {
        }
        %jit3A_281 = arith.constant 1 : i32
        %jit3A_282 = arith.constant 0 : i32
        %select_n3A_283 = arith.select %gt3A_277, %jit3A_281, %jit3A_282 : i32
        %add3A_284 = arith.addi %while3A_209, %select_n3A_283 : i32
        scf.yield %add3A_275, %add3A_284 : i32, i32
      }
      %while3A_205 = arith.constant 1 : i32
      %while3A_206:2 = scf.for %while3A_207 = %while3A_202 to %while3A_198 step %while3A_205 iter_args(%while3A_208 = %while3A_204#0, %while3A_209 = %while3A_204#1) -> (i32, i32)  : i32 {
        %add3A_210 = arith.addi %reduce_sum3A_184, %while3A_207 : i32
        %shift_right_arithmetic3A_211 = arith.constant 4 : i32
        %shift_right_arithmetic3A_212 = arith.shrsi %add3A_210, %shift_right_arithmetic3A_211 : i32
        %mul3A_213 = arith.constant 16 : i32
        %mul3A_214 = arith.muli %shift_right_arithmetic3A_212, %mul3A_213 : i32
        %get3A = arith.index_cast %mul3A_214 : i32 to index
        %get3A_215 = tpu.vector_load %arg7[%get3A] {strides = array<i32>} : memref<16400xi32, #tpu.memory_space<vmem>>, vector<16xi32>,
        %and3A_216 = arith.constant 15 : i32
        %and3A_217 = arith.andi %add3A_210, %and3A_216 : i32
        %eq3A_218 = vector.broadcast %and3A_217 : i32 to vector<16xi32>
        %eq3A_219 = arith.cmpi eq, %iota3A, %eq3A_218 : vector<16xi32>
        %jit3A_220 = arith.constant 0 : i32
        %broadcast_in_dim3A_221 = vector.broadcast %jit3A_220 : i32 to vector<16xi32>
        %select_n3A_222 = arith.select %eq3A_219, %get3A_215, %broadcast_in_dim3A_221 : vector<16xi1>, vector<16xi32>
        %reduce_sum3A_223 = arith.constant true
        %reduce_sum3A_224 = vector.broadcast %reduce_sum3A_223 : i1 to vector<16xi1>
        %reduce_sum3A_225 = tpu.scan <sum>, %select_n3A_222 masked %reduce_sum3A_224 : vector<16xi32>, vector<16xi1> -> vector<16xi32>
        %reduce_sum3A_226 = vector.extract %reduce_sum3A_225[15] : i32 from vector<16xi32>
        %shift_right_arithmetic3A_227 = arith.constant 14 : i32
        %shift_right_arithmetic3A_228 = arith.shrsi %reduce_sum3A_226, %shift_right_arithmetic3A_227 : i32
        %and3A_229 = arith.constant 16383 : i32
        %and3A_230 = arith.andi %reduce_sum3A_226, %and3A_229 : i32
        %and3A_231 = arith.constant 63 : i32
        %and3A_232 = arith.andi %while3A_208, %and3A_231 : i32
        %and3A_233 = arith.constant 255 : i32
        %and3A_234 = arith.andi %shift_right_arithmetic3A_228, %and3A_233 : i32
        %broadcast_in_dim3A_235 = vector.broadcast %and3A_234 : i32 to vector<16xi32>
        %broadcast_in_dim3A_236 = vector.broadcast %and3A_159 : i32 to vector<16xi32>
        %add3A_237 = arith.constant 0 : i32
        %add3A_238 = vector.broadcast %add3A_237 : i32 to vector<16xi32>
        %add3A_239 = arith.addi %iota3A, %add3A_238 : vector<16xi32>
        %gather3A_240 = tpu.vector_load_idx %arg11[%broadcast_in_dim3A_236, %add3A_239, %broadcast_in_dim3A_235] : memref<4x64x256xf32, #tpu.memory_space<vmem>>[vector<16xi32>, vector<16xi32>, vector<16xi32>], vector<16xf32>,
        %swap3A_241 = arith.index_cast %and3A_232 : i32 to index
        %swap3A_242 = arith.constant 0 : index
        %swap3A_243 = tpu.vector_load %arg13[%swap3A_241, %swap3A_242] {strides = array<i32>} : memref<64x64xf32, #tpu.memory_space<vmem>>, vector<16xf32>,
        tpu.vector_store %arg13[%swap3A_241, %swap3A_242], %gather3A_240 {strides = array<i32>} : memref<64x64xf32, #tpu.memory_space<vmem>>, vector<16xf32>,
        %add3A_244 = arith.constant 16 : i32
        %add3A_245 = vector.broadcast %add3A_244 : i32 to vector<16xi32>
        %add3A_246 = arith.addi %iota3A, %add3A_245 : vector<16xi32>
        %gather3A_247 = tpu.vector_load_idx %arg11[%broadcast_in_dim3A_236, %add3A_246, %broadcast_in_dim3A_235] : memref<4x64x256xf32, #tpu.memory_space<vmem>>[vector<16xi32>, vector<16xi32>, vector<16xi32>], vector<16xf32>,
        %swap3A_248 = arith.index_cast %and3A_232 : i32 to index
        %swap3A_249 = arith.constant 16 : index
        %swap3A_250 = tpu.vector_load %arg13[%swap3A_248, %swap3A_249] {strides = array<i32>} : memref<64x64xf32, #tpu.memory_space<vmem>>, vector<16xf32>,
        tpu.vector_store %arg13[%swap3A_248, %swap3A_249], %gather3A_247 {strides = array<i32>} : memref<64x64xf32, #tpu.memory_space<vmem>>, vector<16xf32>,
        %add3A_251 = arith.constant 32 : i32
        %add3A_252 = vector.broadcast %add3A_251 : i32 to vector<16xi32>
        %add3A_253 = arith.addi %iota3A, %add3A_252 : vector<16xi32>
        %gather3A_254 = tpu.vector_load_idx %arg11[%broadcast_in_dim3A_236, %add3A_253, %broadcast_in_dim3A_235] : memref<4x64x256xf32, #tpu.memory_space<vmem>>[vector<16xi32>, vector<16xi32>, vector<16xi32>], vector<16xf32>,
        %swap3A_255 = arith.index_cast %and3A_232 : i32 to index
        %swap3A_256 = arith.constant 32 : index
        %swap3A_257 = tpu.vector_load %arg13[%swap3A_255, %swap3A_256] {strides = array<i32>} : memref<64x64xf32, #tpu.memory_space<vmem>>, vector<16xf32>,
        tpu.vector_store %arg13[%swap3A_255, %swap3A_256], %gather3A_254 {strides = array<i32>} : memref<64x64xf32, #tpu.memory_space<vmem>>, vector<16xf32>,
        %add3A_258 = arith.constant 48 : i32
        %add3A_259 = vector.broadcast %add3A_258 : i32 to vector<16xi32>
        %add3A_260 = arith.addi %iota3A, %add3A_259 : vector<16xi32>
        %gather3A_261 = tpu.vector_load_idx %arg11[%broadcast_in_dim3A_236, %add3A_260, %broadcast_in_dim3A_235] : memref<4x64x256xf32, #tpu.memory_space<vmem>>[vector<16xi32>, vector<16xi32>, vector<16xi32>], vector<16xf32>,
        %swap3A_262 = arith.index_cast %and3A_232 : i32 to index
        %swap3A_263 = arith.constant 48 : index
        %swap3A_264 = tpu.vector_load %arg13[%swap3A_262, %swap3A_263] {strides = array<i32>} : memref<64x64xf32, #tpu.memory_space<vmem>>, vector<16xf32>,
        tpu.vector_store %arg13[%swap3A_262, %swap3A_263], %gather3A_261 {strides = array<i32>} : memref<64x64xf32, #tpu.memory_space<vmem>>, vector<16xf32>,
        %mul3A_265 = arith.constant 64 : i32
        %mul3A_266 = arith.muli %and3A_230, %mul3A_265 : i32
        %dma_start3A = arith.constant 0 : i32
        %dma_start3A_267 = tpu.memref_slice %arg13[%and3A_232, %dma_start3A] : memref<64x64xf32, #tpu.memory_space<vmem>> -> memref<1x64xf32, #tpu.memory_space<vmem>>
        %dma_start3A_268 = tpu.memref_squeeze %dma_start3A_267 : memref<1x64xf32, #tpu.memory_space<vmem>> -> memref<64xf32, #tpu.memory_space<vmem>>
        %dma_start3A_269 = tpu.memref_slice %arg4[%mul3A_266] : memref<1048576xf32, #tpu.memory_space<hbm>> -> memref<64xf32, #tpu.memory_space<hbm>>
        %dma_start3A_270 = tpu.memref_slice %arg4[%mul3A_266] : memref<1048576xf32, #tpu.memory_space<hbm>> -> memref<64xf32, #tpu.memory_space<hbm>>
        %dma_start3A_271 = arith.constant 0 : i32
        %dma_start3A_272 = tpu.memref_slice %arg13[%and3A_232, %dma_start3A_271] : memref<64x64xf32, #tpu.memory_space<vmem>> -> memref<1x64xf32, #tpu.memory_space<vmem>>
        %dma_start3A_273 = tpu.memref_squeeze %dma_start3A_272 : memref<1x64xf32, #tpu.memory_space<vmem>> -> memref<64xf32, #tpu.memory_space<vmem>>
        tpu.enqueue_dma source(%dma_start3A_273 : memref<64xf32, #tpu.memory_space<vmem>>) target(%dma_start3A_270 : memref<64xf32, #tpu.memory_space<hbm>>) target_semaphore(%arg15 : memref<!tpu.dma_semaphore, #tpu.memory_space<semaphore_mem>>)
        %add3A_274 = arith.constant 1 : i32
        %add3A_275 = arith.addi %while3A_208, %add3A_274 : i32
        %gt3A_276 = arith.constant 64 : i32
        %gt3A_277 = arith.cmpi sgt, %add3A_275, %gt3A_276 : i32
        %convert_element_type3A_278 = arith.extui %gt3A_277 : i1 to i32
        %cond3A_279 = arith.constant 0 : i32
        %cond3A_280 = arith.cmpi ne, %convert_element_type3A_278, %cond3A_279 : i32
        scf.if %cond3A_280 {
          %dma_wait3A_285 = arith.constant 0 : i32
          %dma_wait3A_286 = arith.constant 0 : i32
          %dma_wait3A_287 = tpu.memref_slice %arg13[%dma_wait3A_285, %dma_wait3A_286] : memref<64x64xf32, #tpu.memory_space<vmem>> -> memref<1x64xf32, #tpu.memory_space<vmem>>
          %dma_wait3A_288 = tpu.memref_squeeze %dma_wait3A_287 : memref<1x64xf32, #tpu.memory_space<vmem>> -> memref<64xf32, #tpu.memory_space<vmem>>
          %dma_wait3A_289 = arith.constant 0 : i32
          %dma_wait3A_290 = tpu.memref_slice %arg4[%dma_wait3A_289] : memref<1048576xf32, #tpu.memory_space<hbm>> -> memref<64xf32, #tpu.memory_space<hbm>>
          %dma_wait3A_291 = arith.constant 0 : i32
          %dma_wait3A_292 = tpu.memref_slice %arg13[%dma_wait3A_285, %dma_wait3A_291] : memref<64x64xf32, #tpu.memory_space<vmem>> -> memref<1x64xf32, #tpu.memory_space<vmem>>
          %dma_wait3A_293 = tpu.memref_squeeze %dma_wait3A_292 : memref<1x64xf32, #tpu.memory_space<vmem>> -> memref<64xf32, #tpu.memory_space<vmem>>
          %dma_wait3A_294 = arith.constant 0 : i32
          %dma_wait3A_295 = tpu.memref_slice %arg4[%dma_wait3A_294] : memref<1048576xf32, #tpu.memory_space<hbm>> -> memref<64xf32, #tpu.memory_space<hbm>>
          tpu.wait_dma2 semaphore(%arg15 : memref<!tpu.dma_semaphore, #tpu.memory_space<semaphore_mem>>) src(%dma_wait3A_295 : memref<64xf32, #tpu.memory_space<hbm>>) dst(%dma_wait3A_293 : memref<64xf32, #tpu.memory_space<vmem>>)
        } else {
        }
        %jit3A_281 = arith.constant 1 : i32
        %jit3A_282 = arith.constant 0 : i32
        %select_n3A_283 = arith.select %gt3A_277, %jit3A_281, %jit3A_282 : i32
        %add3A_284 = arith.addi %while3A_209, %select_n3A_283 : i32
        scf.yield %add3A_275, %add3A_284 : i32, i32
      }
      scf.yield %while3A_206#0, %while3A_206#1 : i32, i32
    }
    %eq3A_105 = arith.constant 30 : i32
    %eq3A_106 = arith.cmpi eq, %add3A, %eq3A_105 : i32
    %convert_element_type3A_107 = arith.extui %eq3A_106 : i1 to i32
    %cond3A_108 = arith.constant 0 : i32
    %cond3A_109 = arith.cmpi ne, %convert_element_type3A_107, %cond3A_108 : i32
    scf.if %cond3A_109 {
      %mul3A_151 = arith.constant 0 : i32
      %mul3A_152 = arith.muli %add3A, %mul3A_151 : i32
      %add3A_153 = arith.constant 999936 : i32
      %add3A_154 = arith.addi %add3A_153, %mul3A_152 : i32
      %multiple_of3A = tpu.assume_multiple %add3A_154, 128 : i32
      "tpu.region"() ({
        %run_scoped3A = tpu.sem_alloc : memref<!tpu.dma_semaphore, #tpu.memory_space<semaphore_mem>>
        %dma_start3A = arith.constant 0 : i32
        %dma_start3A_155 = tpu.memref_slice %arg3[%dma_start3A, %multiple_of3A] : memref<64x1000000xf32, #tpu.memory_space<hbm>> -> memref<64x128xf32, #tpu.memory_space<hbm>>
        %dma_start3A_156 = arith.constant 0 : i32
        %dma_start3A_157 = tpu.memref_slice %arg3[%dma_start3A_156, %multiple_of3A] : memref<64x1000000xf32, #tpu.memory_space<hbm>> -> memref<64x128xf32, #tpu.memory_space<hbm>>
        tpu.enqueue_dma source(%dma_start3A_157 : memref<64x128xf32, #tpu.memory_space<hbm>>) target(%arg12 : memref<64x128xf32, #tpu.memory_space<vmem>>) target_semaphore(%run_scoped3A : memref<!tpu.dma_semaphore, #tpu.memory_space<semaphore_mem>>)
        %dma_wait3A = arith.constant 0 : i32
        %dma_wait3A_158 = tpu.memref_slice %arg3[%dma_wait3A, %multiple_of3A] : memref<64x1000000xf32, #tpu.memory_space<hbm>> -> memref<64x128xf32, #tpu.memory_space<hbm>>
        %dma_wait3A_159 = arith.constant 0 : i32
        %dma_wait3A_160 = tpu.memref_slice %arg3[%dma_wait3A_159, %multiple_of3A] : memref<64x1000000xf32, #tpu.memory_space<hbm>> -> memref<64x128xf32, #tpu.memory_space<hbm>>
        tpu.wait_dma2 semaphore(%run_scoped3A : memref<!tpu.dma_semaphore, #tpu.memory_space<semaphore_mem>>) src(%dma_wait3A_160 : memref<64x128xf32, #tpu.memory_space<hbm>>) dst(%arg12 : memref<64x128xf32, #tpu.memory_space<vmem>>)
        tpu.yield
      }) : () -> ()
    } else {
    }
    %broadcast_in_dim3A_110 = vector.broadcast %min3A_79 : i32 to vector<16xi32>
    %gather3A = tpu.vector_load_idx %arg9[%broadcast_in_dim3A_110] : memref<144xi32, #tpu.memory_space<vmem>>[vector<16xi32>], vector<16xi32>,
    %eq3A_111 = arith.constant 0 : i32
    %eq3A_112 = vector.broadcast %eq3A_111 : i32 to vector<16xi32>
    %eq3A_113 = arith.cmpi eq, %iota3A, %eq3A_112 : vector<16xi32>
    %jit3A = arith.constant 0 : i32
    %broadcast_in_dim3A_114 = vector.broadcast %jit3A : i32 to vector<16xi32>
    %select_n3A = arith.select %eq3A_113, %gather3A, %broadcast_in_dim3A_114 : vector<16xi1>, vector<16xi32>
    %reduce_sum3A = arith.constant true
    %reduce_sum3A_115 = vector.broadcast %reduce_sum3A : i1 to vector<16xi1>
    %reduce_sum3A_116 = tpu.scan <sum>, %select_n3A masked %reduce_sum3A_115 : vector<16xi32>, vector<16xi1> -> vector<16xi32>
    %reduce_sum3A_117 = vector.extract %reduce_sum3A_116[15] : i32 from vector<16xi32>
    %gather3A_118 = tpu.vector_load_idx %arg8[%broadcast_in_dim3A_110] : memref<144xi32, #tpu.memory_space<vmem>>[vector<16xi32>], vector<16xi32>,
    %eq3A_119 = arith.constant 0 : i32
    %eq3A_120 = vector.broadcast %eq3A_119 : i32 to vector<16xi32>
    %eq3A_121 = arith.cmpi eq, %iota3A, %eq3A_120 : vector<16xi32>
    %jit3A_122 = arith.constant 0 : i32
    %broadcast_in_dim3A_123 = vector.broadcast %jit3A_122 : i32 to vector<16xi32>
    %select_n3A_124 = arith.select %eq3A_121, %gather3A_118, %broadcast_in_dim3A_123 : vector<16xi1>, vector<16xi32>
    %reduce_sum3A_125 = arith.constant true
    %reduce_sum3A_126 = vector.broadcast %reduce_sum3A_125 : i1 to vector<16xi1>
    %reduce_sum3A_127 = tpu.scan <sum>, %select_n3A_124 masked %reduce_sum3A_126 : vector<16xi32>, vector<16xi1> -> vector<16xi32>
    %reduce_sum3A_128 = vector.extract %reduce_sum3A_127[15] : i32 from vector<16xi32>
    %while3A_129 = arith.constant 0 : i32
    %while3A_130 = arith.subi %reduce_sum3A_128, %while3A_129 : i32
    %while3A_131 = arith.addi %while3A_129, %while3A_130 : i32
    %while3A_132 = arith.constant 1 : i32
    %while3A_133 = arith.divsi %while3A_130, %while3A_132 : i32
    %while3A_134 = arith.muli %while3A_133, %while3A_132 : i32
    %while3A_135 = arith.addi %while3A_129, %while3A_134 : i32
    %while3A_136 = arith.constant 1 : i32
    %while3A_137:2 = scf.for %while3A_151 = %while3A_129 to %while3A_135 step %while3A_136 iter_args(%while3A_152 = %while3A_104#0, %while3A_153 = %while3A_104#1) -> (i32, i32)  : i32 {
      %add3A_154 = arith.addi %reduce_sum3A_117, %while3A_151 : i32
      %shift_right_arithmetic3A_155 = arith.constant 4 : i32
      %shift_right_arithmetic3A_156 = arith.shrsi %add3A_154, %shift_right_arithmetic3A_155 : i32
      %mul3A_157 = arith.constant 16 : i32
      %mul3A_158 = arith.muli %shift_right_arithmetic3A_156, %mul3A_157 : i32
      %get3A = arith.index_cast %mul3A_158 : i32 to index
      %get3A_159 = tpu.vector_load %arg7[%get3A] {strides = array<i32>} : memref<16400xi32, #tpu.memory_space<vmem>>, vector<16xi32>,
      %and3A = arith.constant 15 : i32
      %and3A_160 = arith.andi %add3A_154, %and3A : i32
      %eq3A_161 = vector.broadcast %and3A_160 : i32 to vector<16xi32>
      %eq3A_162 = arith.cmpi eq, %iota3A, %eq3A_161 : vector<16xi32>
      %jit3A_163 = arith.constant 0 : i32
      %broadcast_in_dim3A_164 = vector.broadcast %jit3A_163 : i32 to vector<16xi32>
      %select_n3A_165 = arith.select %eq3A_162, %get3A_159, %broadcast_in_dim3A_164 : vector<16xi1>, vector<16xi32>
      %reduce_sum3A_166 = arith.constant true
      %reduce_sum3A_167 = vector.broadcast %reduce_sum3A_166 : i1 to vector<16xi1>
      %reduce_sum3A_168 = tpu.scan <sum>, %select_n3A_165 masked %reduce_sum3A_167 : vector<16xi32>, vector<16xi1> -> vector<16xi32>
      %reduce_sum3A_169 = vector.extract %reduce_sum3A_168[15] : i32 from vector<16xi32>
      %shift_right_arithmetic3A_170 = arith.constant 14 : i32
      %shift_right_arithmetic3A_171 = arith.shrsi %reduce_sum3A_169, %shift_right_arithmetic3A_170 : i32
      %and3A_172 = arith.constant 16383 : i32
      %and3A_173 = arith.andi %reduce_sum3A_169, %and3A_172 : i32
      %and3A_174 = arith.constant 63 : i32
      %and3A_175 = arith.andi %while3A_152, %and3A_174 : i32
      %sub3A_176 = arith.constant 999936 : i32
      %sub3A_177 = arith.subi %sub3A_176, %shift_left3A_1 : i32
      %sub3A_178 = arith.subi %shift_right_arithmetic3A_171, %sub3A_177 : i32
      %broadcast_in_dim3A_179 = vector.broadcast %sub3A_178 : i32 to vector<16xi32>
      %add3A_180 = arith.constant 0 : i32
      %add3A_181 = vector.broadcast %add3A_180 : i32 to vector<16xi32>
      %add3A_182 = arith.addi %iota3A, %add3A_181 : vector<16xi32>
      %gather3A_183 = tpu.vector_load_idx %arg12[%add3A_182, %broadcast_in_dim3A_179] : memref<64x128xf32, #tpu.memory_space<vmem>>[vector<16xi32>, vector<16xi32>], vector<16xf32>,
      %swap3A_184 = arith.index_cast %and3A_175 : i32 to index
      %swap3A_185 = arith.constant 0 : index
      %swap3A_186 = tpu.vector_load %arg13[%swap3A_184, %swap3A_185] {strides = array<i32>} : memref<64x64xf32, #tpu.memory_space<vmem>>, vector<16xf32>,
      tpu.vector_store %arg13[%swap3A_184, %swap3A_185], %gather3A_183 {strides = array<i32>} : memref<64x64xf32, #tpu.memory_space<vmem>>, vector<16xf32>,
      %add3A_187 = arith.constant 16 : i32
      %add3A_188 = vector.broadcast %add3A_187 : i32 to vector<16xi32>
      %add3A_189 = arith.addi %iota3A, %add3A_188 : vector<16xi32>
      %gather3A_190 = tpu.vector_load_idx %arg12[%add3A_189, %broadcast_in_dim3A_179] : memref<64x128xf32, #tpu.memory_space<vmem>>[vector<16xi32>, vector<16xi32>], vector<16xf32>,
      %swap3A_191 = arith.index_cast %and3A_175 : i32 to index
      %swap3A_192 = arith.constant 16 : index
      %swap3A_193 = tpu.vector_load %arg13[%swap3A_191, %swap3A_192] {strides = array<i32>} : memref<64x64xf32, #tpu.memory_space<vmem>>, vector<16xf32>,
      tpu.vector_store %arg13[%swap3A_191, %swap3A_192], %gather3A_190 {strides = array<i32>} : memref<64x64xf32, #tpu.memory_space<vmem>>, vector<16xf32>,
      %add3A_194 = arith.constant 32 : i32
      %add3A_195 = vector.broadcast %add3A_194 : i32 to vector<16xi32>
      %add3A_196 = arith.addi %iota3A, %add3A_195 : vector<16xi32>
      %gather3A_197 = tpu.vector_load_idx %arg12[%add3A_196, %broadcast_in_dim3A_179] : memref<64x128xf32, #tpu.memory_space<vmem>>[vector<16xi32>, vector<16xi32>], vector<16xf32>,
      %swap3A_198 = arith.index_cast %and3A_175 : i32 to index
      %swap3A_199 = arith.constant 32 : index
      %swap3A_200 = tpu.vector_load %arg13[%swap3A_198, %swap3A_199] {strides = array<i32>} : memref<64x64xf32, #tpu.memory_space<vmem>>, vector<16xf32>,
      tpu.vector_store %arg13[%swap3A_198, %swap3A_199], %gather3A_197 {strides = array<i32>} : memref<64x64xf32, #tpu.memory_space<vmem>>, vector<16xf32>,
      %add3A_201 = arith.constant 48 : i32
      %add3A_202 = vector.broadcast %add3A_201 : i32 to vector<16xi32>
      %add3A_203 = arith.addi %iota3A, %add3A_202 : vector<16xi32>
      %gather3A_204 = tpu.vector_load_idx %arg12[%add3A_203, %broadcast_in_dim3A_179] : memref<64x128xf32, #tpu.memory_space<vmem>>[vector<16xi32>, vector<16xi32>], vector<16xf32>,
      %swap3A_205 = arith.index_cast %and3A_175 : i32 to index
      %swap3A_206 = arith.constant 48 : index
      %swap3A_207 = tpu.vector_load %arg13[%swap3A_205, %swap3A_206] {strides = array<i32>} : memref<64x64xf32, #tpu.memory_space<vmem>>, vector<16xf32>,
      tpu.vector_store %arg13[%swap3A_205, %swap3A_206], %gather3A_204 {strides = array<i32>} : memref<64x64xf32, #tpu.memory_space<vmem>>, vector<16xf32>,
      %mul3A_208 = arith.constant 64 : i32
      %mul3A_209 = arith.muli %and3A_173, %mul3A_208 : i32
      %dma_start3A = arith.constant 0 : i32
      %dma_start3A_210 = tpu.memref_slice %arg13[%and3A_175, %dma_start3A] : memref<64x64xf32, #tpu.memory_space<vmem>> -> memref<1x64xf32, #tpu.memory_space<vmem>>
      %dma_start3A_211 = tpu.memref_squeeze %dma_start3A_210 : memref<1x64xf32, #tpu.memory_space<vmem>> -> memref<64xf32, #tpu.memory_space<vmem>>
      %dma_start3A_212 = tpu.memref_slice %arg4[%mul3A_209] : memref<1048576xf32, #tpu.memory_space<hbm>> -> memref<64xf32, #tpu.memory_space<hbm>>
      %dma_start3A_213 = tpu.memref_slice %arg4[%mul3A_209] : memref<1048576xf32, #tpu.memory_space<hbm>> -> memref<64xf32, #tpu.memory_space<hbm>>
      %dma_start3A_214 = arith.constant 0 : i32
      %dma_start3A_215 = tpu.memref_slice %arg13[%and3A_175, %dma_start3A_214] : memref<64x64xf32, #tpu.memory_space<vmem>> -> memref<1x64xf32, #tpu.memory_space<vmem>>
      %dma_start3A_216 = tpu.memref_squeeze %dma_start3A_215 : memref<1x64xf32, #tpu.memory_space<vmem>> -> memref<64xf32, #tpu.memory_space<vmem>>
      tpu.enqueue_dma source(%dma_start3A_216 : memref<64xf32, #tpu.memory_space<vmem>>) target(%dma_start3A_213 : memref<64xf32, #tpu.memory_space<hbm>>) target_semaphore(%arg15 : memref<!tpu.dma_semaphore, #tpu.memory_space<semaphore_mem>>)
      %add3A_217 = arith.constant 1 : i32
      %add3A_218 = arith.addi %while3A_152, %add3A_217 : i32
      %gt3A_219 = arith.constant 64 : i32
      %gt3A_220 = arith.cmpi sgt, %add3A_218, %gt3A_219 : i32
      %convert_element_type3A_221 = arith.extui %gt3A_220 : i1 to i32
      %cond3A_222 = arith.constant 0 : i32
      %cond3A_223 = arith.cmpi ne, %convert_element_type3A_221, %cond3A_222 : i32
      scf.if %cond3A_223 {
        %dma_wait3A = arith.constant 0 : i32
        %dma_wait3A_228 = arith.constant 0 : i32
        %dma_wait3A_229 = tpu.memref_slice %arg13[%dma_wait3A, %dma_wait3A_228] : memref<64x64xf32, #tpu.memory_space<vmem>> -> memref<1x64xf32, #tpu.memory_space<vmem>>
        %dma_wait3A_230 = tpu.memref_squeeze %dma_wait3A_229 : memref<1x64xf32, #tpu.memory_space<vmem>> -> memref<64xf32, #tpu.memory_space<vmem>>
        %dma_wait3A_231 = arith.constant 0 : i32
        %dma_wait3A_232 = tpu.memref_slice %arg4[%dma_wait3A_231] : memref<1048576xf32, #tpu.memory_space<hbm>> -> memref<64xf32, #tpu.memory_space<hbm>>
        %dma_wait3A_233 = arith.constant 0 : i32
        %dma_wait3A_234 = tpu.memref_slice %arg13[%dma_wait3A, %dma_wait3A_233] : memref<64x64xf32, #tpu.memory_space<vmem>> -> memref<1x64xf32, #tpu.memory_space<vmem>>
        %dma_wait3A_235 = tpu.memref_squeeze %dma_wait3A_234 : memref<1x64xf32, #tpu.memory_space<vmem>> -> memref<64xf32, #tpu.memory_space<vmem>>
        %dma_wait3A_236 = arith.constant 0 : i32
        %dma_wait3A_237 = tpu.memref_slice %arg4[%dma_wait3A_236] : memref<1048576xf32, #tpu.memory_space<hbm>> -> memref<64xf32, #tpu.memory_space<hbm>>
        tpu.wait_dma2 semaphore(%arg15 : memref<!tpu.dma_semaphore, #tpu.memory_space<semaphore_mem>>) src(%dma_wait3A_237 : memref<64xf32, #tpu.memory_space<hbm>>) dst(%dma_wait3A_235 : memref<64xf32, #tpu.memory_space<vmem>>)
      } else {
      }
      %jit3A_224 = arith.constant 1 : i32
      %jit3A_225 = arith.constant 0 : i32
      %select_n3A_226 = arith.select %gt3A_220, %jit3A_224, %jit3A_225 : i32
      %add3A_227 = arith.addi %while3A_153, %select_n3A_226 : i32
      scf.yield %add3A_218, %add3A_227 : i32, i32
    }
    %while3A_138 = arith.constant 1 : i32
    %while3A_139:2 = scf.for %while3A_151 = %while3A_135 to %while3A_131 step %while3A_138 iter_args(%while3A_152 = %while3A_137#0, %while3A_153 = %while3A_137#1) -> (i32, i32)  : i32 {
      %add3A_154 = arith.addi %reduce_sum3A_117, %while3A_151 : i32
      %shift_right_arithmetic3A_155 = arith.constant 4 : i32
      %shift_right_arithmetic3A_156 = arith.shrsi %add3A_154, %shift_right_arithmetic3A_155 : i32
      %mul3A_157 = arith.constant 16 : i32
      %mul3A_158 = arith.muli %shift_right_arithmetic3A_156, %mul3A_157 : i32
      %get3A = arith.index_cast %mul3A_158 : i32 to index
      %get3A_159 = tpu.vector_load %arg7[%get3A] {strides = array<i32>} : memref<16400xi32, #tpu.memory_space<vmem>>, vector<16xi32>,
      %and3A = arith.constant 15 : i32
      %and3A_160 = arith.andi %add3A_154, %and3A : i32
      %eq3A_161 = vector.broadcast %and3A_160 : i32 to vector<16xi32>
      %eq3A_162 = arith.cmpi eq, %iota3A, %eq3A_161 : vector<16xi32>
      %jit3A_163 = arith.constant 0 : i32
      %broadcast_in_dim3A_164 = vector.broadcast %jit3A_163 : i32 to vector<16xi32>
      %select_n3A_165 = arith.select %eq3A_162, %get3A_159, %broadcast_in_dim3A_164 : vector<16xi1>, vector<16xi32>
      %reduce_sum3A_166 = arith.constant true
      %reduce_sum3A_167 = vector.broadcast %reduce_sum3A_166 : i1 to vector<16xi1>
      %reduce_sum3A_168 = tpu.scan <sum>, %select_n3A_165 masked %reduce_sum3A_167 : vector<16xi32>, vector<16xi1> -> vector<16xi32>
      %reduce_sum3A_169 = vector.extract %reduce_sum3A_168[15] : i32 from vector<16xi32>
      %shift_right_arithmetic3A_170 = arith.constant 14 : i32
      %shift_right_arithmetic3A_171 = arith.shrsi %reduce_sum3A_169, %shift_right_arithmetic3A_170 : i32
      %and3A_172 = arith.constant 16383 : i32
      %and3A_173 = arith.andi %reduce_sum3A_169, %and3A_172 : i32
      %and3A_174 = arith.constant 63 : i32
      %and3A_175 = arith.andi %while3A_152, %and3A_174 : i32
      %sub3A_176 = arith.constant 999936 : i32
      %sub3A_177 = arith.subi %sub3A_176, %shift_left3A_1 : i32
      %sub3A_178 = arith.subi %shift_right_arithmetic3A_171, %sub3A_177 : i32
      %broadcast_in_dim3A_179 = vector.broadcast %sub3A_178 : i32 to vector<16xi32>
      %add3A_180 = arith.constant 0 : i32
      %add3A_181 = vector.broadcast %add3A_180 : i32 to vector<16xi32>
      %add3A_182 = arith.addi %iota3A, %add3A_181 : vector<16xi32>
      %gather3A_183 = tpu.vector_load_idx %arg12[%add3A_182, %broadcast_in_dim3A_179] : memref<64x128xf32, #tpu.memory_space<vmem>>[vector<16xi32>, vector<16xi32>], vector<16xf32>,
      %swap3A_184 = arith.index_cast %and3A_175 : i32 to index
      %swap3A_185 = arith.constant 0 : index
      %swap3A_186 = tpu.vector_load %arg13[%swap3A_184, %swap3A_185] {strides = array<i32>} : memref<64x64xf32, #tpu.memory_space<vmem>>, vector<16xf32>,
      tpu.vector_store %arg13[%swap3A_184, %swap3A_185], %gather3A_183 {strides = array<i32>} : memref<64x64xf32, #tpu.memory_space<vmem>>, vector<16xf32>,
      %add3A_187 = arith.constant 16 : i32
      %add3A_188 = vector.broadcast %add3A_187 : i32 to vector<16xi32>
      %add3A_189 = arith.addi %iota3A, %add3A_188 : vector<16xi32>
      %gather3A_190 = tpu.vector_load_idx %arg12[%add3A_189, %broadcast_in_dim3A_179] : memref<64x128xf32, #tpu.memory_space<vmem>>[vector<16xi32>, vector<16xi32>], vector<16xf32>,
      %swap3A_191 = arith.index_cast %and3A_175 : i32 to index
      %swap3A_192 = arith.constant 16 : index
      %swap3A_193 = tpu.vector_load %arg13[%swap3A_191, %swap3A_192] {strides = array<i32>} : memref<64x64xf32, #tpu.memory_space<vmem>>, vector<16xf32>,
      tpu.vector_store %arg13[%swap3A_191, %swap3A_192], %gather3A_190 {strides = array<i32>} : memref<64x64xf32, #tpu.memory_space<vmem>>, vector<16xf32>,
      %add3A_194 = arith.constant 32 : i32
      %add3A_195 = vector.broadcast %add3A_194 : i32 to vector<16xi32>
      %add3A_196 = arith.addi %iota3A, %add3A_195 : vector<16xi32>
      %gather3A_197 = tpu.vector_load_idx %arg12[%add3A_196, %broadcast_in_dim3A_179] : memref<64x128xf32, #tpu.memory_space<vmem>>[vector<16xi32>, vector<16xi32>], vector<16xf32>,
      %swap3A_198 = arith.index_cast %and3A_175 : i32 to index
      %swap3A_199 = arith.constant 32 : index
      %swap3A_200 = tpu.vector_load %arg13[%swap3A_198, %swap3A_199] {strides = array<i32>} : memref<64x64xf32, #tpu.memory_space<vmem>>, vector<16xf32>,
      tpu.vector_store %arg13[%swap3A_198, %swap3A_199], %gather3A_197 {strides = array<i32>} : memref<64x64xf32, #tpu.memory_space<vmem>>, vector<16xf32>,
      %add3A_201 = arith.constant 48 : i32
      %add3A_202 = vector.broadcast %add3A_201 : i32 to vector<16xi32>
      %add3A_203 = arith.addi %iota3A, %add3A_202 : vector<16xi32>
      %gather3A_204 = tpu.vector_load_idx %arg12[%add3A_203, %broadcast_in_dim3A_179] : memref<64x128xf32, #tpu.memory_space<vmem>>[vector<16xi32>, vector<16xi32>], vector<16xf32>,
      %swap3A_205 = arith.index_cast %and3A_175 : i32 to index
      %swap3A_206 = arith.constant 48 : index
      %swap3A_207 = tpu.vector_load %arg13[%swap3A_205, %swap3A_206] {strides = array<i32>} : memref<64x64xf32, #tpu.memory_space<vmem>>, vector<16xf32>,
      tpu.vector_store %arg13[%swap3A_205, %swap3A_206], %gather3A_204 {strides = array<i32>} : memref<64x64xf32, #tpu.memory_space<vmem>>, vector<16xf32>,
      %mul3A_208 = arith.constant 64 : i32
      %mul3A_209 = arith.muli %and3A_173, %mul3A_208 : i32
      %dma_start3A = arith.constant 0 : i32
      %dma_start3A_210 = tpu.memref_slice %arg13[%and3A_175, %dma_start3A] : memref<64x64xf32, #tpu.memory_space<vmem>> -> memref<1x64xf32, #tpu.memory_space<vmem>>
      %dma_start3A_211 = tpu.memref_squeeze %dma_start3A_210 : memref<1x64xf32, #tpu.memory_space<vmem>> -> memref<64xf32, #tpu.memory_space<vmem>>
      %dma_start3A_212 = tpu.memref_slice %arg4[%mul3A_209] : memref<1048576xf32, #tpu.memory_space<hbm>> -> memref<64xf32, #tpu.memory_space<hbm>>
      %dma_start3A_213 = tpu.memref_slice %arg4[%mul3A_209] : memref<1048576xf32, #tpu.memory_space<hbm>> -> memref<64xf32, #tpu.memory_space<hbm>>
      %dma_start3A_214 = arith.constant 0 : i32
      %dma_start3A_215 = tpu.memref_slice %arg13[%and3A_175, %dma_start3A_214] : memref<64x64xf32, #tpu.memory_space<vmem>> -> memref<1x64xf32, #tpu.memory_space<vmem>>
      %dma_start3A_216 = tpu.memref_squeeze %dma_start3A_215 : memref<1x64xf32, #tpu.memory_space<vmem>> -> memref<64xf32, #tpu.memory_space<vmem>>
      tpu.enqueue_dma source(%dma_start3A_216 : memref<64xf32, #tpu.memory_space<vmem>>) target(%dma_start3A_213 : memref<64xf32, #tpu.memory_space<hbm>>) target_semaphore(%arg15 : memref<!tpu.dma_semaphore, #tpu.memory_space<semaphore_mem>>)
      %add3A_217 = arith.constant 1 : i32
      %add3A_218 = arith.addi %while3A_152, %add3A_217 : i32
      %gt3A_219 = arith.constant 64 : i32
      %gt3A_220 = arith.cmpi sgt, %add3A_218, %gt3A_219 : i32
      %convert_element_type3A_221 = arith.extui %gt3A_220 : i1 to i32
      %cond3A_222 = arith.constant 0 : i32
      %cond3A_223 = arith.cmpi ne, %convert_element_type3A_221, %cond3A_222 : i32
      scf.if %cond3A_223 {
        %dma_wait3A = arith.constant 0 : i32
        %dma_wait3A_228 = arith.constant 0 : i32
        %dma_wait3A_229 = tpu.memref_slice %arg13[%dma_wait3A, %dma_wait3A_228] : memref<64x64xf32, #tpu.memory_space<vmem>> -> memref<1x64xf32, #tpu.memory_space<vmem>>
        %dma_wait3A_230 = tpu.memref_squeeze %dma_wait3A_229 : memref<1x64xf32, #tpu.memory_space<vmem>> -> memref<64xf32, #tpu.memory_space<vmem>>
        %dma_wait3A_231 = arith.constant 0 : i32
        %dma_wait3A_232 = tpu.memref_slice %arg4[%dma_wait3A_231] : memref<1048576xf32, #tpu.memory_space<hbm>> -> memref<64xf32, #tpu.memory_space<hbm>>
        %dma_wait3A_233 = arith.constant 0 : i32
        %dma_wait3A_234 = tpu.memref_slice %arg13[%dma_wait3A, %dma_wait3A_233] : memref<64x64xf32, #tpu.memory_space<vmem>> -> memref<1x64xf32, #tpu.memory_space<vmem>>
        %dma_wait3A_235 = tpu.memref_squeeze %dma_wait3A_234 : memref<1x64xf32, #tpu.memory_space<vmem>> -> memref<64xf32, #tpu.memory_space<vmem>>
        %dma_wait3A_236 = arith.constant 0 : i32
        %dma_wait3A_237 = tpu.memref_slice %arg4[%dma_wait3A_236] : memref<1048576xf32, #tpu.memory_space<hbm>> -> memref<64xf32, #tpu.memory_space<hbm>>
        tpu.wait_dma2 semaphore(%arg15 : memref<!tpu.dma_semaphore, #tpu.memory_space<semaphore_mem>>) src(%dma_wait3A_237 : memref<64xf32, #tpu.memory_space<hbm>>) dst(%dma_wait3A_235 : memref<64xf32, #tpu.memory_space<vmem>>)
      } else {
      }
      %jit3A_224 = arith.constant 1 : i32
      %jit3A_225 = arith.constant 0 : i32
      %select_n3A_226 = arith.select %gt3A_220, %jit3A_224, %jit3A_225 : i32
      %add3A_227 = arith.addi %while3A_153, %select_n3A_226 : i32
      scf.yield %add3A_218, %add3A_227 : i32, i32
    }
    %sub3A_140 = arith.subi %while3A_139#0, %while3A_139#1 : i32
    %while3A_141 = arith.constant 0 : i32
    %while3A_142 = arith.constant 0 : i32
    %while3A_143 = arith.subi %sub3A_140, %while3A_142 : i32
    %while3A_144 = arith.addi %while3A_142, %while3A_143 : i32
    %while3A_145 = arith.constant 1 : i32
    %while3A_146 = arith.divsi %while3A_143, %while3A_145 : i32
    %while3A_147 = arith.muli %while3A_146, %while3A_145 : i32
    %while3A_148 = arith.addi %while3A_142, %while3A_147 : i32
    %while3A_149 = arith.constant 1 : i32
    scf.for %while3A_151 = %while3A_142 to %while3A_148 step %while3A_149  : i32 {
      %dma_wait3A = arith.constant 0 : i32
      %dma_wait3A_152 = arith.constant 0 : i32
      %dma_wait3A_153 = tpu.memref_slice %arg13[%dma_wait3A, %dma_wait3A_152] : memref<64x64xf32, #tpu.memory_space<vmem>> -> memref<1x64xf32, #tpu.memory_space<vmem>>
      %dma_wait3A_154 = tpu.memref_squeeze %dma_wait3A_153 : memref<1x64xf32, #tpu.memory_space<vmem>> -> memref<64xf32, #tpu.memory_space<vmem>>
      %dma_wait3A_155 = arith.constant 0 : i32
      %dma_wait3A_156 = tpu.memref_slice %arg4[%dma_wait3A_155] : memref<1048576xf32, #tpu.memory_space<hbm>> -> memref<64xf32, #tpu.memory_space<hbm>>
      %dma_wait3A_157 = arith.constant 0 : i32
      %dma_wait3A_158 = tpu.memref_slice %arg13[%dma_wait3A, %dma_wait3A_157] : memref<64x64xf32, #tpu.memory_space<vmem>> -> memref<1x64xf32, #tpu.memory_space<vmem>>
      %dma_wait3A_159 = tpu.memref_squeeze %dma_wait3A_158 : memref<1x64xf32, #tpu.memory_space<vmem>> -> memref<64xf32, #tpu.memory_space<vmem>>
      %dma_wait3A_160 = arith.constant 0 : i32
      %dma_wait3A_161 = tpu.memref_slice %arg4[%dma_wait3A_160] : memref<1048576xf32, #tpu.memory_space<hbm>> -> memref<64xf32, #tpu.memory_space<hbm>>
      tpu.wait_dma2 semaphore(%arg15 : memref<!tpu.dma_semaphore, #tpu.memory_space<semaphore_mem>>) src(%dma_wait3A_161 : memref<64xf32, #tpu.memory_space<hbm>>) dst(%dma_wait3A_159 : memref<64xf32, #tpu.memory_space<vmem>>)
    }
    %while3A_150 = arith.constant 1 : i32
    scf.for %while3A_151 = %while3A_148 to %while3A_144 step %while3A_150  : i32 {
      %dma_wait3A = arith.constant 0 : i32
      %dma_wait3A_152 = arith.constant 0 : i32
      %dma_wait3A_153 = tpu.memref_slice %arg13[%dma_wait3A, %dma_wait3A_152] : memref<64x64xf32, #tpu.memory_space<vmem>> -> memref<1x64xf32, #tpu.memory_space<vmem>>
      %dma_wait3A_154 = tpu.memref_squeeze %dma_wait3A_153 : memref<1x64xf32, #tpu.memory_space<vmem>> -> memref<64xf32, #tpu.memory_space<vmem>>
      %dma_wait3A_155 = arith.constant 0 : i32
      %dma_wait3A_156 = tpu.memref_slice %arg4[%dma_wait3A_155] : memref<1048576xf32, #tpu.memory_space<hbm>> -> memref<64xf32, #tpu.memory_space<hbm>>
      %dma_wait3A_157 = arith.constant 0 : i32
      %dma_wait3A_158 = tpu.memref_slice %arg13[%dma_wait3A, %dma_wait3A_157] : memref<64x64xf32, #tpu.memory_space<vmem>> -> memref<1x64xf32, #tpu.memory_space<vmem>>
      %dma_wait3A_159 = tpu.memref_squeeze %dma_wait3A_158 : memref<1x64xf32, #tpu.memory_space<vmem>> -> memref<64xf32, #tpu.memory_space<vmem>>
      %dma_wait3A_160 = arith.constant 0 : i32
      %dma_wait3A_161 = tpu.memref_slice %arg4[%dma_wait3A_160] : memref<1048576xf32, #tpu.memory_space<hbm>> -> memref<64xf32, #tpu.memory_space<hbm>>
      tpu.wait_dma2 semaphore(%arg15 : memref<!tpu.dma_semaphore, #tpu.memory_space<semaphore_mem>>) src(%dma_wait3A_161 : memref<64xf32, #tpu.memory_space<hbm>>) dst(%dma_wait3A_159 : memref<64xf32, #tpu.memory_space<vmem>>)
    }
    return
  }
}

</mosaic_0001>

<sc_bundles>
// kernel: kernel.3.cloned.1.call-start
scs
__scs_entry_jumppad:
0x0: {  	(pc) =	sbr.rel $0x88, $3  }
0x1: {  	(tag) =	ssettag $0x0;
	lr =	simm.s32 $0x1  }
0x2: {  	[smem:$0x3F9F] =	sst lr;
	_ =	strace $0xD0000000  }
0x3: {  	_ = 	snop  }
0x4: {  	_ = 	snop  }
0x5: {  	_ = 	snop  }
0x6: {  	_ = 	snop  }
0x7: {  	_ = 	snop  }
__scs_overlays_trampoline_lowered:
0x8: {  	[smem:$0x3FAE] =	sst s0  }
0x9: {  	[smem:$0x3FAF] =	sst s1  }
0xa: {  	[smem:$0x3FB0] =	sst s2  }
0xb: {  	[smem:$0x3FB1] =	sst s3  }
0xc: {  	[smem:$0x3FB2] =	sst s4  }
0xd: {  	[smem:$0x3FB3] =	sst s5  }
0xe: {  	[smem:$0x3FB4] =	sst s6  }
0xf: {  	[smem:$0x3FB5] =	sst s7  }
0x10: {  	[smem:$0x3FB6] =	sst s8  }
0x11: {  	[smem:$0x3FB7] =	sst s9;
	s0 =	simm.s32 @!p0 $0x0  }
0x12: {  	s1 =	sld [smem:$0x3F9D];
	s0 =	simm.s32 @p0 $0x1  }
0x13: {  	[smem:$0x3FB8] =	sst s0;
	s0 =	simm.s32 @!p1 $0x0  }
0x14: {  	s2 =	sld [smem:$0x3F9C];
	s0 =	simm.s32 @p1 $0x1  }
0x15: {  	[smem:$0x3FB9] =	sst s0;
	s0 =	simm.s32 @!p2 $0x0  }
0x16: {  	s3 =	sld [smem:$0x3FDB];
	s0 =	simm.s32 @p2 $0x1  }
0x17: {  	s4 =	simm.s32 $0x1BF5;
	[smem:$0x3FBB] =	sst s0  }
0x18: {  	s0 =	sld [smem:$0x3F9E];
	_ =	swait.ge [sflag:s4], $0x0  }
0x19: {  	s7 =	sld [smem:$0x3F9F]  }
0x1a: {  	s8 =	sadd.s32 $0xFFFFE003, lr  }
0x1b: {  	s9 =	sadd.s32 $0xFFFFFEF7, lr;
	s5 =	simm.s32 $0xFFFFFFFF;
	p2 =	slt.u32 s8, $0xFFFFF086  }
0x1c: {  	p1 =	slt.u32 s9, $0xF7A;
	s5 =	simm.s32 @!p2 $0x0  }
0x1d: {  	s5 =	simm.s32 @p1 $0x1;
	p0 =	seq.s32 s7, s2  }
0x1e: {  	s7 =	smul.u32 @!p0 $0xF7A, s2;
	p2 =	seq.s32 @!p0 s5, $0x0  }
0x1f: {  	s9 =	smul.u32 $0xF7A, s1;
	s8 =	simm.s32 @!p0 $0x1BF5;
	p2 =	por !p2, p0  }
0x20: {  	[sflag:s8] =	ssyncset.s32 @!p0 $0xFFFFF086;
	s6 =	sadd.s32 @!p0 s3, s7;
	s7 =	simm.s32 @!p0 $0x108  }
0x21: {  	s3 =	sadd.s32 s3, s9;
	s6 =	sadd.s32 @!p0 $0x88, s6;
	s7 =	simm.s32 @p2 $0x1082  }
0x22: {  	[simem:s7], [sflag:s8] =	dma.local @!p0 [hbm:s6], $0xF7A  }
0x23: {  	s9 =	sor.u32 $0xD0000000, s2;
	s6 =	simm.s32 $0x108;
	_ =	swait.ge @!p0 [sflag:s8], $0x0  }
0x24: {  	s3 =	sadd.s32 $0x88, s3;
	s6 =	simm.s32 @!p1 $0x1082;
	[sflag:s4] =	ssyncset.s32 $0xFFFFF086  }
0x25: {  	[simem:s6], [sflag:s4] =	dma.local [hbm:s3], $0xF7A  }
0x26: {  	[smem:$0x3F9F] =	sst s1;
	(tag) =	ssettag s2;
	_ =	strace s9  }
0x27: {  	s1 =	sld [smem:$0x3FAF]  }
0x28: {  	s2 =	sld [smem:$0x3FB0]  }
0x29: {  	s4 =	sld [smem:$0x3FB2]  }
0x2a: {  	p0 =	seq.s32 s5, $0x0;
	s5 =	sld [smem:$0x3FB3]  }
0x2b: {  	s6 =	sld [smem:$0x3FB4]  }
0x2c: {  	s7 =	sld [smem:$0x3FB5]  }
0x2d: {  	s3 =	simm.s32 $0x108;
	s8 =	sld [smem:$0x3FB6]  }
0x2e: {  	s3 =	simm.s32 @!p0 $0x1082;
	s9 =	sld [smem:$0x3FB7]  }
0x2f: {  	lr =	sadd.s32 s0, s3;
	s0 =	sld [smem:$0x3FAE]  }
0x30: {  	s3 =	sld [smem:$0x3FB1]  }
0x31: {  	[smem:$0x3FBA] =	sst s10  }
0x32: {  	s10 =	sld [smem:$0x3FB8];
	_ =	sdelay $0x3  }
0x33: {  	p0 =	seq.s32 s10, $0x1;
	s10 =	sld [smem:$0x3FBA];
	_ =	sdelay $0x3  }
0x34: {  	[smem:$0x3FBA] =	sst s10  }
0x35: {  	s10 =	sld [smem:$0x3FB9];
	_ =	sdelay $0x3  }
0x36: {  	p1 =	seq.s32 s10, $0x1;
	s10 =	sld [smem:$0x3FBA];
	_ =	sdelay $0x3  }
0x37: {  	[smem:$0x3FBA] =	sst s10  }
0x38: {  	s10 =	sld [smem:$0x3FBB]  }
0x39: {  	_ = 	snop;
	(pc) =	sbr.ind lr, $3  }
0x3a: {  	_ = 	snop  }
0x3b: {  	_ = 	snop  }
0x3c: {  	p2 =	seq.s32 s10, $0x1;
	s10 =	sld [smem:$0x3FBA]  }
0x3d: {  	_ =	shalt  }
0x3e: {  	_ =	shalt  }
0x3f: {  	_ =	shalt  }
0x40: {  	_ =	shalt  }
0x41: {  	_ =	shalt  }
0x42: {  	_ =	shalt  }
0x43: {  	_ =	shalt  }
0x44: {  	_ =	shalt  }
0x45: {  	_ =	shalt  }
0x46: {  	_ =	shalt  }
0x47: {  	_ =	shalt  }
0x48: {  	_ =	shalt  }
0x49: {  	_ =	shalt  }
0x4a: {  	_ =	shalt  }
0x4b: {  	_ =	shalt  }
0x4c: {  	_ =	shalt  }
0x4d: {  	_ =	shalt  }
0x4e: {  	_ =	shalt  }
0x4f: {  	_ =	shalt  }
0x50: {  	_ =	shalt  }
0x51: {  	_ =	shalt  }
0x52: {  	_ =	shalt  }
0x53: {  	_ =	shalt  }
0x54: {  	_ =	shalt  }
0x55: {  	_ =	shalt  }
0x56: {  	_ =	shalt  }
0x57: {  	_ =	shalt  }
0x58: {  	_ =	shalt  }
0x59: {  	_ =	shalt  }
0x5a: {  	_ =	shalt  }
0x5b: {  	_ =	shalt  }
0x5c: {  	_ =	shalt  }
0x5d: {  	_ =	shalt  }
0x5e: {  	_ =	shalt  }
0x5f: {  	_ =	shalt  }
0x60: {  	_ =	shalt  }
0x61: {  	_ =	shalt  }
0x62: {  	_ =	shalt  }
0x63: {  	_ =	shalt  }
0x64: {  	_ =	shalt  }
0x65: {  	_ =	shalt  }
0x66: {  	_ =	shalt  }
0x67: {  	_ =	shalt  }
0x68: {  	_ =	shalt  }
0x69: {  	_ =	shalt  }
0x6a: {  	_ =	shalt  }
0x6b: {  	_ =	shalt  }
0x6c: {  	_ =	shalt  }
0x6d: {  	_ =	shalt  }
0x6e: {  	_ =	shalt  }
0x6f: {  	_ =	shalt  }
0x70: {  	_ =	shalt  }
0x71: {  	_ =	shalt  }
0x72: {  	_ =	shalt  }
0x73: {  	_ =	shalt  }
0x74: {  	_ =	shalt  }
0x75: {  	_ =	shalt  }
0x76: {  	_ =	shalt  }
0x77: {  	_ =	shalt  }
0x78: {  	_ =	shalt  }
0x79: {  	_ =	shalt  }
0x7a: {  	_ =	shalt  }
0x7b: {  	_ =	shalt  }
0x7c: {  	_ =	shalt  }
0x7d: {  	_ =	shalt  }
0x7e: {  	_ =	shalt  }
0x7f: {  	_ =	shalt  }
0x80: {  	_ =	shalt  }
0x81: {  	_ =	shalt  }
0x82: {  	_ =	shalt  }
0x83: {  	_ =	shalt  }
0x84: {  	_ =	shalt  }
0x85: {  	_ =	shalt  }
0x86: {  	_ =	shalt  }
0x87: {  	_ =	shalt  }
.Lfunc_end0:
.L_simem_size_0:
called_computation_lowered:
.L_overlay_start_0:
0x88: {  	s2 =	sld [smem:$0x3FD9]  }
0x89: {  	s3 =	sld [smem:$0x3FFE];
	_ =	sdelay $0x1  }
0x8a: {  	s1 =	srdreg.scid  }
0x8b: {  	s0 =	sand.u32 $0x1, s1  }
0x8c: {  	s18 =	sshll.u32 s0, $0xA;
	s2 =	sadd.s32 s3, s2  }
0x8d: {  	s2 =	sadd.s32 s2, s18  }
0x8e: {  	[smem:$0x3FC6] =	sst s2  }
0x8f: {  	_ = 	snop  }
0x90: {  	s2 =	sld [smem:$0x3FC9]  }
0x91: {  	s19 =	sld [smem:$0x3FC8]  }
0x92: {  	s4 =	sld [smem:$0x3FD0];
	(tm) =	ssettm $0x1  }
0x93: {  	s5 =	sld [smem:$0x3FFB];
	_ =	sdelay $0x3  }
0x94: {  	_ =	strace s5  }
0x95: {  	s5 =	sld [smem:$0x3FFC];
	_ =	sdelay $0x3  }
0x96: {  	_ =	strace s5  }
0x97: {  	s5 =	sld [smem:$0x3FFD];
	_ =	sdelay $0x3  }
0x98: {  	_ =	strace s5  }
0x99: {  	_ =	strace $0x8FFFFFFF  }
0x9a: {  	s20 =	sld [smem:$0x3FDB];
	_ =	sdelay $0x1  }
0x9b: {  	s6 =	simm.s32 $_scs_section_size  }
0x9c: {  	s7 =	simm.s32 $_size__tile_overlayer_lowered;
	s8 =	simm.s32 $_tile_overlayer_lowered  }
0x9d: {  	s23 =	simm.s32 $0x1BFF;
	s22 =	sshll.u32 s8, $0x1;
	s5 =	sadd.s32 s6, s20  }
0x9e: {  	s9 =	simm.s32 $0x0;
	s21 =	sshll.u32 s7, $0x1;
	s7 =	sadd.s32 s22, s5  }
0x9f: {  	[timem:s9], [sflag:s23] =	dma.local [hbm:s7], s21  }
0xa0: {  	_ =	swait.ge [sflag:s23], s21  }
0xa1: {  	s6 =	ssub.s32 $0x0, s21;
	[sflag:s23] =	ssyncset.done $0x0  }
0xa2: {  	[sflag:s23] =	ssyncadd.s32 s6;
	_ =	sdelay $0x1  }
0xa3: {  	s24 =	simm.s32 $0x1B8B  }
0xa4: {  	_ =	swait.ge [sflag:s24], $0x1  }
0xa5: {  	[sflag:s24] =	ssyncset.done $0x0  }
0xa6: {  	s25 =	simm.s32 $0x1B8E;
	[sflag:s24] =	ssyncadd.s32 $0xFFFFFFFF  }
0xa7: {  	s26 =	simm.s32 $execute0_lowered;
	[smem:$0x3FD2] =	sst s25  }
0xa8: {  	s6 =	sshll.u32 s26, $0x1;
	_ =	strace $0x80000046;
	[dreg:$0x1] =	wrdreg $0xFFFFFFFF  }
0xa9: {  	s28 =	simm.s32 $_size_execute0_lowered;
	s5 =	sadd.s32 s5, s6;
	[dreg:$0x0] =	wrdreg $0x0  }
0xaa: {  	s6 =	sshll.u32 s28, $0x1;
	[dreg:$0x2] =	wrdreg s5  }
0xab: {  	[dreg:$0x3] =	wrdreg s6  }
0xac: {  	[dreg:$0x4] =	wrdreg $0xC0  }
0xad: {  	_ =	task [dreg:s9], $0x5FFFF  }
0xae: {  	[dreg:$0x1] =	wrdreg $0xFFFFFFFF  }
0xaf: {  	[dreg:$0x0] =	wrdreg $0x60  }
0xb0: {  	[dreg:$0x2] =	wrdreg s2  }
0xb1: {  	[dreg:$0x3] =	wrdreg s19  }
0xb2: {  	[dreg:$0x4] =	wrdreg s4  }
0xb3: {  	[dreg:$0x5] =	wrdreg $0x9  }
0xb4: {  	_ =	task.clear_ibuf [dreg:s9], $0x6FFFF;
	_ =	strace $0x90000046  }
0xb5: {  	s29 =	simm.s32 $0x9;
	_ =	strace $0x80000048  }
0xb6: {  	_ =	swait.ge [sflag:s29], $0x1  }
0xb7: {  	[sflag:s29] =	ssyncadd.s32 $0xFFFFFFFF  }
0xb8: {  	_ =	strace $0x90000048  }
0xb9: {  	_ =	sfence  }
0xba: {  	s30 =	sld [smem:$0x0];
	_ =	sdelay $0x2  }
0xbb: {  	s31 =	sshll.u32 s1, $0xD;
	s1 =	sshrl.u32 s1, $0x2  }
0xbc: {  	s3 =	sand.u32 $0x4000, s31;
	s1 =	sadd.s32 s1, s30  }
0xbd: {  	s0 =	sor.u32 s3, s0;
	s1 =	sshll.u32 s1, $0x11  }
0xbe: {  	s0 =	sor.u32 s1, s0  }
0xbf: {  	s0 =	sadd.s32 $0x8F2B, s0  }
0xc0: {  	[sflag:s0] =	ssyncadd.remote.s32 $0x1  }
0xc1: {  	_ =	sfence.sel $0xFFFF  }
0xc2: {  	[dreg:$0x0] =	wrdreg $0xFFFFFFFF;
	(pc) =	sbr.abs _section_cstart, $3  }
0xc3: {  	[dreg:$0x1] =	wrdreg $0xFFFFFFFF  }
0xc4: {  	_ =	task.clear_ibuf [dreg:s9], $0x2FFFF;
	_ =	strace $0x9FFFFFFF  }
0xc5: {  	(tm) =	ssettm $0x7FFFFFFF  }
tec
execute0_lowered:
.L_overlay_start_1:
0x0: {  	(tag) =	ssettag $0x1  }
0x1: {  	v0 =	vimm.s32 $0xB80;
	vm15 =	vcmask $0x300;
	vm14 =	vcmask $0x704  }
0x2: {  	vm13 =	vcmask $0xB08;
	vm12 =	vcmask $0xF0C;
	vm11 =	vcmask $0x1310  }
0x3: {  	vm10 =	vcmask $0x1714;
	vm9 =	vcmask $0x1B18;
	vm8 =	vcmask $0x1F1C  }
0x4: {  	vm7 =	vcmask $0x2320;
	vm6 =	vcmask $0x2724;
	vm5 =	vcmask $0x2B28  }
0x5: {  	vm4 =	vcmask $0x2F2C;
	vm3 =	vcmask $0x3330;
	vm0 =	vmmov $0x1  }
0x6: {  	vm1 =	vcmask $0x3734;
	vm2 =	vcmask $0x3B38;
	v10 =	vimm.s32 $0x1B80  }
0x7: {  	v11 =	vimm.s32 $0x2B80;
	v12 =	vimm.s32 $0x3B80;
	v0 =	vsel vm15, $0x0, v0  }
0x8: {  	v10 =	vsel vm15, $0x1000, v10;
	v11 =	vsel vm15, $0x2000, v11;
	v12 =	vsel vm15, $0x3000, v12  }
0x9: {  	v0 =	vsel vm14, $0x80, v0;
	v10 =	vsel vm14, $0x1080, v10;
	v11 =	vsel vm14, $0x2080, v11  }
0xa: {  	s0 =	srdreg.scid;
	s7 =	stileid.u32;
	v12 =	vsel vm14, $0x3080, v12;
	v0 =	vsel vm13, $0x100, v0;
	v10 =	vsel vm13, $0x1100, v10  }
0xb: {  	s11 =	rddreg [dreg:$0x0];
	s8 =	sand.u32 $0x1, s0;
	s20 =	sshll.u32 s7, $0x1;
	v11 =	vsel vm13, $0x2100, v11;
	v12 =	vsel vm13, $0x3100, v12;
	v0 =	vsel vm12, $0x180, v0  }
0xc: {  	s4 =	rddreg [dreg:$0x1];
	s0 =	sor.u32 s8, s20;
	v10 =	vsel vm12, $0x1180, v10;
	v11 =	vsel vm12, $0x2180, v11;
	v12 =	vsel vm12, $0x3180, v12  }
0xd: {  	s6 =	rddreg [dreg:$0x2];
	s5 =	sshll.u32 s0, $0xF;
	v1 =	vsel vm11, $0x200, v0;
	v0 =	vmov s0;
	v10 =	vsel vm11, $0x1200, v10  }
0xe: {  	s18 =	simm.s32 $0x3;
	s19 =	simm.s32 $0x1000;
	s1 =	ssub.s32 $0xF4200, s5;
	v11 =	vsel vm11, $0x2200, v11;
	v12 =	vsel vm11, $0x3200, v12;
	v2 =	vsel vm10, $0x280, v1  }
0xf: {  	s28 =	simm.s32 $0x9400;
	p0 =	sgt.s32 s1, $0x0;
	s3 =	smov.u32 s1;
	v1 =	vmov s5;
	v10 =	vsel vm10, $0x1280, v10;
	v11 =	vsel vm10, $0x2280, v11  }
0x10: {  	s29 =	simm.s32 $0x0;
	s10 =	sshll.u32 s7, $0x10;
	s3 =	simm.s32 @!p0 $0x0;
	v12 =	vsel vm10, $0x3280, v12;
	v2 =	vsel vm9, $0x300, v2;
	v10 =	vsel vm9, $0x1300, v10  }
0x11: {  	s7 =	simm.s32 $0x0;
	s22 =	sadd.s32 $0x200, s11;
	s2 =	sshrl.u32 s3, $0x8;
	v11 =	vsel vm9, $0x2300, v11;
	v12 =	vsel vm9, $0x3300, v12;
	v4 =	vsel vm8, $0x380, v2  }
0x12: {  	s23 =	sadd.s32 $0x400, s11;
	s24 =	sadd.s32 $0x600, s11;
	s2 =	smin.u32 s2, $0x80;
	v10 =	vsel vm8, $0x1380, v10;
	v11 =	vsel vm8, $0x2380, v11;
	v12 =	vsel vm8, $0x3380, v12  }
0x13: {  	s31 =	sadd.s32 $0xF4200, s4;
	s9 =	sshll.u32 s8, $0xF;
	[smem:$0x7FF] =	sst s7;
	v3 =	vmov s2;
	v4 =	vsel vm7, $0x800, v4;
	v10 =	vsel vm7, $0x1800, v10  }
0x14: {  	s8 =	ssub.s32 $0x2, s8;
	_ =	strace $0x80000047;
	[dreg:$0x4] =	wrdreg s22;
	v11 =	vsel vm7, $0x2800, v11;
	v12 =	vsel vm7, $0x3800, v12;
	v2 =	vbroadcast v3, $0x0  }
0x15: {  	s20 =	simm.s32 $0x9100;
	s9 =	sor.u32 s10, s9;
	[dreg:$0x5] =	wrdreg s23;
	v3 =	vimm.s32 $0x0;
	v5 =	vsel vm6, $0x880, v4;
	v4 =	vlaneseq.u32  }
0x16: {  	s21 =	sshrl.u32 s8, $0x1;
	[dreg:$0x6] =	wrdreg s24;
	s14 =	sshll.u32 s0, $0x12;
	v10 =	vsel vm6, $0x1880, v10;
	v11 =	vsel vm6, $0x2880, v11;
	v12 =	vsel vm6, $0x3880, v12  }
0x17: {  	[dreg:$0x9] =	wrdreg s31;
	s22 =	simm.s32 $0x5080;
	p1 =	seq.s32 s0, $0x1F;
	v6 =	vsel vm5, $0x900, v5;
	v5 =	vmul.u32 $0x80, v4;
	v10 =	vsel vm5, $0x1900, v10  }
0x18: {  	p2 =	sne.s32 s0, $0x1E;
	s23 =	simm.s32 $0x9200;
	s24 =	simm.s32 $0x19400;
	v11 =	vsel vm5, $0x2900, v11;
	v12 =	vsel vm5, $0x3900, v12;
	v6 =	vsel vm4, $0x980, v6  }
0x19: {  	s9 =	ssub.s32 $0xF4200, s9;
	s8 =	ssub.s32 s8, s21;
	s11 =	sadd.s32 s4, s5;
	v10 =	vsel vm4, $0x1980, v10;
	v11 =	vsel vm4, $0x2980, v11;
	v12 =	vsel vm4, $0x3980, v12  }
.Ltmp0:
0x1a: {  	s21 =	simm.s32 $0x9300;
	p0 =	sgt.s32 s9, $0x0;
	v7 =	vsel vm3, $0xA00, v6;
	v6 =	vor.u32 $0x800, v5;
	v8 =	vor.u32 $0x1800, v5;
	(pc) =	sbr.rel .LBB2_1-.Ltmp0, $4  }
0x1b: {  	s26 =	sadd.s32 $0x100, s11;
	s30 =	sadd.s32 $0x200, s11;
	s9 =	simm.s32 @!p0 $0x0;
	v10 =	vsel vm3, $0x1A00, v10;
	v11 =	vsel vm3, $0x2A00, v11;
	v12 =	vsel vm3, $0x3A00, v12  }
0x1c: {  	s17 =	smax.u32 s8, $0x1;
	[dreg:$0x7] =	wrdreg s26;
	s25 =	sshrl.u32 s9, $0x8;
	v9 =	vsel vm1, $0xA80, v7;
	v7 =	vor.u32 $0x1000, v5;
	v10 =	vsel vm1, $0x1A80, v10  }
0x1d: {  	[dreg:$0x8] =	wrdreg s30;
	s26 =	simm.s32 $0x2;
	s5 =	smax.u32 s25, $0x1;
	v11 =	vsel vm1, $0x2A80, v11;
	v12 =	vsel vm1, $0x3A80, v12;
	v9 =	vsel vm2, $0xB00, v9  }
0x1e: {  	p0 =	seq.s32 s3, $0x0;
	s25 =	simm.s32 $0x1;
	s16 =	smin.u32 s5, $0x80;
	v10 =	vsel vm2, $0x1B00, v10;
	v11 =	vsel vm2, $0x2B00, v11;
	v12 =	vsel vm2, $0x3B00, v12  }
.LBB2_37:
0x1f: {  	[sflag:s26] =	ssyncadd.s32 $0xFFFFFFC0  }
.LBB2_38:
0x20: {  	s29 =	sadd.s32 $0x1, s29  }
0x21: {  	p3 =	sne.s32 s29, s17  }
.Ltmp1:
0x22: {  	_ = 	snop;
	(pc) =	sbr.rel @!p3 .LBB2_39-.Ltmp1, $1  }
0x23: {  	_ =	sdelay $0x3  }
.LBB2_1:
0x24: {  	s0 =	rddreg [dreg:$0x0]  }
0x25: {  	[tilespmem:s7], [sflag:$0x3] =	stream.linear.gather [hbm4b:s0+s7], $0x1000, $0x38;
	[tilespmem:$0x1D400] =	vst v63  }
0x26: {  	_ =	swait.ge [sflag:s18], $0x1000  }
0x27: {  	[sflag:s18] =	ssyncset.done $0x0  }
0x28: {  	[sflag:s18] =	ssyncadd.s32 $0xFFFFF000  }
0x29: {  	v13 =	vld [tilespmem:s7+$0x0];
	_ =	sdelay $0x4  }
0x2a: {  	v14 =	vshra.s32 v13, $0xF  }
0x2b: {  	vm1 =	veq.s32 v14, v0  }
0x2c: {  	v14 =	vsel vm1, $0x1, v3  }
0x2d: {  	(xrf0) =	vadd.scan.msk.s32 $0xffff, v14  }
0x2e: {  	s9 =	simm.s32 $0x20;
	s3 =	simm.s32 $0x0  }
0x2f: {  	s8 =	simm.s32 $0x0;
	s5 =	simm.s32 $0x0;
	s0 =	simm.s32 $0x10  }
.LBB2_2:
0x30: {  	p3 =	sne.s32 s9, $0xFF0;
	_ =	sdelay $0x1  }
0x31: {  	v14 =	vsel vm1, $0xFFFFFFFF, v3  }
0x32: {  	v14 =	vadd.s32 s3, v14;
	v15, _, _ =	vpop (xrf0)  }
0x33: {  	v14 =	vadd.s32 v15, v14;
	(v2sf) =	vpush v15, $0xF  }
0x34: {  	v13 =	vsub.s32 v13, v1  }
0x35: {  	v13 =	vshll.u32 v13, $0xE  }
0x36: {  	v13 =	vadd.s32 s8, v13;
	s8 =	smov.u32 s0;
	s0 =	smov.u32 s9  }
0x37: {  	v13 =	vadd.s32 v4, v13  }
0x38: {  	s5 =	sadd.s32 $0x10, s5;
	[tilespmem:v14+s19+$0x0] =	vst.idx.msk vm1, v13  }
0x39: {  	v13 =	vld [tilespmem:s5+$0x0];
	_ =	sdelay $0x4  }
0x3a: {  	v14 =	vshra.s32 v13, $0xF  }
.Ltmp2:
0x3b: {  	vm1 =	veq.s32 v14, v0;
	(pc) =	sbr.rel @p3 .LBB2_2-.Ltmp2, $4  }
0x3c: {  	v14 =	vsel vm1, $0x1, v3  }
0x3d: {  	(xrf0) =	vadd.scan.msk.s32 $0xffff, v14  }
0x3e: {  	s10 =	spop (v2sf)  }
0x3f: {  	s9 =	sadd.s32 $0x10, s9;
	s3 =	sadd.s32 s3, s10  }
0x40: {  	_ =	sdelay $0x1  }
0x41: {  	v14 =	vsel vm1, $0xFFFFFFFF, v3  }
0x42: {  	v14 =	vadd.s32 s3, v14;
	v15, _, _ =	vpop (xrf0)  }
0x43: {  	v14 =	vadd.s32 v15, v14  }
0x44: {  	v13 =	vsub.s32 v13, v1  }
0x45: {  	v13 =	vshll.u32 v13, $0xE  }
0x46: {  	v13 =	vadd.s32 s8, v13  }
0x47: {  	v13 =	vadd.s32 v4, v13  }
0x48: {  	s5 =	sadd.s32 $0x10, s5;
	[tilespmem:v14+s19+$0x0] =	vst.idx.msk vm1, v13  }
0x49: {  	v13 =	vld [tilespmem:s5+$0x0];
	_ =	sdelay $0x4  }
0x4a: {  	(v2sf) =	vpush v15, $0xF;
	v14 =	vshra.s32 v13, $0xF  }
0x4b: {  	vm1 =	veq.s32 v14, v0  }
0x4c: {  	v14 =	vsel vm1, $0x1, v3  }
0x4d: {  	(xrf0) =	vadd.scan.msk.s32 $0xffff, v14;
	_ =	sdelay $0x5  }
0x4e: {  	v14, _, _ =	vpop (xrf0)  }
0x4f: {  	(v2sf) =	vpush v14, $0xF;
	_ =	sdelay $0x4  }
0x50: {  	s13 =	spop (v2sf)  }
0x51: {  	v15 =	vsel vm1, $0xFFFFFFFF, v3;
	s15 =	sadd.s32 s3, s13  }
0x52: {  	v15 =	vadd.s32 s15, v15  }
0x53: {  	v14 =	vadd.s32 v14, v15  }
0x54: {  	v13 =	vsub.s32 v13, v1  }
0x55: {  	v13 =	vshll.u32 v13, $0xE  }
0x56: {  	v13 =	vadd.s32 s0, v13  }
0x57: {  	v13 =	vadd.s32 v4, v13  }
0x58: {  	s31 =	rddreg [dreg:$0x4];
	s5 =	simm.s32 $0x0;
	[tilespmem:v14+s19+$0x0] =	vst.idx.msk vm1, v13  }
0x59: {  	[tilespmem:s5], [sflag:$0x3] =	stream.linear.gather [hbm4b:s31+s5], $0x1000, $0x38;
	[tilespmem:$0x1D400] =	vst v63  }
0x5a: {  	s30 =	spop (v2sf)  }
0x5b: {  	_ =	swait.ge [sflag:s18], $0x1000  }
0x5c: {  	[sflag:s18] =	ssyncset.done $0x0  }
0x5d: {  	[sflag:s18] =	ssyncadd.s32 $0xFFFFF000  }
0x5e: {  	v13 =	vld [tilespmem:s5+$0x0];
	_ =	sdelay $0x4  }
0x5f: {  	v14 =	vshra.s32 v13, $0xF  }
0x60: {  	vm1 =	veq.s32 v14, v0  }
0x61: {  	v14 =	vsel vm1, $0x1, v3  }
0x62: {  	(xrf0) =	vadd.scan.msk.s32 $0xffff, v14  }
0x63: {  	s9 =	simm.s32 $0x1020  }
0x64: {  	s8 =	simm.s32 $0x1000;
	s0 =	simm.s32 $0x1010;
	s3 =	sadd.s32 s15, s30  }
.LBB2_4:
0x65: {  	p3 =	sne.s32 s9, $0x1FF0;
	_ =	sdelay $0x1  }
0x66: {  	v14 =	vsel vm1, $0xFFFFFFFF, v3  }
0x67: {  	v14 =	vadd.s32 s3, v14;
	v15, _, _ =	vpop (xrf0)  }
0x68: {  	v14 =	vadd.s32 v15, v14;
	(v2sf) =	vpush v15, $0xF  }
0x69: {  	v13 =	vsub.s32 v13, v1  }
0x6a: {  	v13 =	vshll.u32 v13, $0xE  }
0x6b: {  	v13 =	vadd.s32 s8, v13;
	s8 =	smov.u32 s0;
	s0 =	smov.u32 s9  }
0x6c: {  	v13 =	vadd.s32 v4, v13  }
0x6d: {  	s5 =	sadd.s32 $0x10, s5;
	[tilespmem:v14+s19+$0x0] =	vst.idx.msk vm1, v13  }
0x6e: {  	v13 =	vld [tilespmem:s5+$0x0];
	_ =	sdelay $0x4  }
0x6f: {  	v14 =	vshra.s32 v13, $0xF  }
.Ltmp3:
0x70: {  	vm1 =	veq.s32 v14, v0;
	(pc) =	sbr.rel @p3 .LBB2_4-.Ltmp3, $4  }
0x71: {  	v14 =	vsel vm1, $0x1, v3  }
0x72: {  	(xrf0) =	vadd.scan.msk.s32 $0xffff, v14  }
0x73: {  	s10 =	spop (v2sf)  }
0x74: {  	s9 =	sadd.s32 $0x10, s9;
	s3 =	sadd.s32 s3, s10  }
0x75: {  	_ =	sdelay $0x1  }
0x76: {  	v14 =	vsel vm1, $0xFFFFFFFF, v3  }
0x77: {  	v14 =	vadd.s32 s3, v14;
	v15, _, _ =	vpop (xrf0)  }
0x78: {  	v14 =	vadd.s32 v15, v14  }
0x79: {  	v13 =	vsub.s32 v13, v1  }
0x7a: {  	v13 =	vshll.u32 v13, $0xE  }
0x7b: {  	v13 =	vadd.s32 s8, v13  }
0x7c: {  	v13 =	vadd.s32 v4, v13  }
0x7d: {  	s5 =	sadd.s32 $0x10, s5;
	[tilespmem:v14+s19+$0x0] =	vst.idx.msk vm1, v13  }
0x7e: {  	v13 =	vld [tilespmem:s5+$0x0];
	_ =	sdelay $0x4  }
0x7f: {  	(v2sf) =	vpush v15, $0xF;
	v14 =	vshra.s32 v13, $0xF  }
0x80: {  	vm1 =	veq.s32 v14, v0  }
0x81: {  	v14 =	vsel vm1, $0x1, v3  }
0x82: {  	(xrf0) =	vadd.scan.msk.s32 $0xffff, v14;
	_ =	sdelay $0x5  }
0x83: {  	v14, _, _ =	vpop (xrf0)  }
0x84: {  	(v2sf) =	vpush v14, $0xF;
	_ =	sdelay $0x4  }
0x85: {  	s13 =	spop (v2sf)  }
0x86: {  	v15 =	vsel vm1, $0xFFFFFFFF, v3;
	s15 =	sadd.s32 s3, s13  }
0x87: {  	v15 =	vadd.s32 s15, v15  }
0x88: {  	v14 =	vadd.s32 v14, v15  }
0x89: {  	v13 =	vsub.s32 v13, v1  }
0x8a: {  	v13 =	vshll.u32 v13, $0xE  }
0x8b: {  	v13 =	vadd.s32 s0, v13  }
0x8c: {  	v13 =	vadd.s32 v4, v13  }
0x8d: {  	s31 =	rddreg [dreg:$0x5];
	s5 =	simm.s32 $0x0;
	[tilespmem:v14+s19+$0x0] =	vst.idx.msk vm1, v13  }
0x8e: {  	[tilespmem:s5], [sflag:$0x3] =	stream.linear.gather [hbm4b:s31+s5], $0x1000, $0x38;
	[tilespmem:$0x1D400] =	vst v63  }
0x8f: {  	s30 =	spop (v2sf)  }
0x90: {  	_ =	swait.ge [sflag:s18], $0x1000  }
0x91: {  	[sflag:s18] =	ssyncset.done $0x0  }
0x92: {  	[sflag:s18] =	ssyncadd.s32 $0xFFFFF000  }
0x93: {  	v13 =	vld [tilespmem:s5+$0x0];
	_ =	sdelay $0x4  }
0x94: {  	v14 =	vshra.s32 v13, $0xF  }
0x95: {  	vm1 =	veq.s32 v14, v0  }
0x96: {  	v14 =	vsel vm1, $0x1, v3  }
0x97: {  	(xrf0) =	vadd.scan.msk.s32 $0xffff, v14  }
0x98: {  	s9 =	simm.s32 $0x2020  }
0x99: {  	s8 =	simm.s32 $0x2000;
	s0 =	simm.s32 $0x2010;
	s3 =	sadd.s32 s15, s30  }
.LBB2_6:
0x9a: {  	p3 =	sne.s32 s9, $0x2FF0;
	_ =	sdelay $0x1  }
0x9b: {  	v14 =	vsel vm1, $0xFFFFFFFF, v3  }
0x9c: {  	v14 =	vadd.s32 s3, v14;
	v15, _, _ =	vpop (xrf0)  }
0x9d: {  	v14 =	vadd.s32 v15, v14;
	(v2sf) =	vpush v15, $0xF  }
0x9e: {  	v13 =	vsub.s32 v13, v1  }
0x9f: {  	v13 =	vshll.u32 v13, $0xE  }
0xa0: {  	v13 =	vadd.s32 s8, v13;
	s8 =	smov.u32 s0;
	s0 =	smov.u32 s9  }
0xa1: {  	v13 =	vadd.s32 v4, v13  }
0xa2: {  	s5 =	sadd.s32 $0x10, s5;
	[tilespmem:v14+s19+$0x0] =	vst.idx.msk vm1, v13  }
0xa3: {  	v13 =	vld [tilespmem:s5+$0x0];
	_ =	sdelay $0x4  }
0xa4: {  	v14 =	vshra.s32 v13, $0xF  }
.Ltmp4:
0xa5: {  	vm1 =	veq.s32 v14, v0;
	(pc) =	sbr.rel @p3 .LBB2_6-.Ltmp4, $4  }
0xa6: {  	v14 =	vsel vm1, $0x1, v3  }
0xa7: {  	(xrf0) =	vadd.scan.msk.s32 $0xffff, v14  }
0xa8: {  	s10 =	spop (v2sf)  }
0xa9: {  	s9 =	sadd.s32 $0x10, s9;
	s3 =	sadd.s32 s3, s10  }
0xaa: {  	_ =	sdelay $0x1  }
0xab: {  	v14 =	vsel vm1, $0xFFFFFFFF, v3  }
0xac: {  	v14 =	vadd.s32 s3, v14;
	v15, _, _ =	vpop (xrf0)  }
0xad: {  	v14 =	vadd.s32 v15, v14  }
0xae: {  	v13 =	vsub.s32 v13, v1  }
0xaf: {  	v13 =	vshll.u32 v13, $0xE  }
0xb0: {  	v13 =	vadd.s32 s8, v13  }
0xb1: {  	v13 =	vadd.s32 v4, v13  }
0xb2: {  	s5 =	sadd.s32 $0x10, s5;
	[tilespmem:v14+s19+$0x0] =	vst.idx.msk vm1, v13  }
0xb3: {  	v13 =	vld [tilespmem:s5+$0x0];
	_ =	sdelay $0x4  }
0xb4: {  	(v2sf) =	vpush v15, $0xF;
	v14 =	vshra.s32 v13, $0xF  }
0xb5: {  	vm1 =	veq.s32 v14, v0  }
0xb6: {  	v14 =	vsel vm1, $0x1, v3  }
0xb7: {  	(xrf0) =	vadd.scan.msk.s32 $0xffff, v14;
	_ =	sdelay $0x5  }
0xb8: {  	v14, _, _ =	vpop (xrf0)  }
0xb9: {  	(v2sf) =	vpush v14, $0xF;
	_ =	sdelay $0x4  }
0xba: {  	s13 =	spop (v2sf)  }
0xbb: {  	v15 =	vsel vm1, $0xFFFFFFFF, v3;
	s15 =	sadd.s32 s3, s13  }
0xbc: {  	v15 =	vadd.s32 s15, v15  }
0xbd: {  	v14 =	vadd.s32 v14, v15  }
0xbe: {  	v13 =	vsub.s32 v13, v1  }
0xbf: {  	v13 =	vshll.u32 v13, $0xE  }
0xc0: {  	v13 =	vadd.s32 s0, v13  }
0xc1: {  	v13 =	vadd.s32 v4, v13  }
0xc2: {  	s31 =	rddreg [dreg:$0x6];
	s5 =	simm.s32 $0x0;
	[tilespmem:v14+s19+$0x0] =	vst.idx.msk vm1, v13  }
0xc3: {  	[tilespmem:s5], [sflag:$0x3] =	stream.linear.gather [hbm4b:s31+s5], $0x1000, $0x38;
	[tilespmem:$0x1D400] =	vst v63  }
0xc4: {  	s30 =	spop (v2sf)  }
0xc5: {  	_ =	swait.ge [sflag:s18], $0x1000  }
0xc6: {  	[sflag:s18] =	ssyncset.done $0x0  }
0xc7: {  	[sflag:s18] =	ssyncadd.s32 $0xFFFFF000  }
0xc8: {  	v13 =	vld [tilespmem:s5+$0x0];
	_ =	sdelay $0x4  }
0xc9: {  	v14 =	vshra.s32 v13, $0xF  }
0xca: {  	vm1 =	veq.s32 v14, v0  }
0xcb: {  	v14 =	vsel vm1, $0x1, v3  }
0xcc: {  	(xrf0) =	vadd.scan.msk.s32 $0xffff, v14  }
0xcd: {  	s9 =	simm.s32 $0x3020  }
0xce: {  	s8 =	simm.s32 $0x3000;
	s0 =	simm.s32 $0x3010;
	s3 =	sadd.s32 s15, s30  }
.LBB2_8:
0xcf: {  	p3 =	sne.s32 s9, $0x3FF0;
	_ =	sdelay $0x1  }
0xd0: {  	v14 =	vsel vm1, $0xFFFFFFFF, v3  }
0xd1: {  	v14 =	vadd.s32 s3, v14;
	v15, _, _ =	vpop (xrf0)  }
0xd2: {  	v14 =	vadd.s32 v15, v14;
	(v2sf) =	vpush v15, $0xF  }
0xd3: {  	v13 =	vsub.s32 v13, v1  }
0xd4: {  	v13 =	vshll.u32 v13, $0xE  }
0xd5: {  	v13 =	vadd.s32 s8, v13;
	s8 =	smov.u32 s0;
	s0 =	smov.u32 s9  }
0xd6: {  	v13 =	vadd.s32 v4, v13  }
0xd7: {  	s5 =	sadd.s32 $0x10, s5;
	[tilespmem:v14+s19+$0x0] =	vst.idx.msk vm1, v13  }
0xd8: {  	v13 =	vld [tilespmem:s5+$0x0];
	_ =	sdelay $0x4  }
0xd9: {  	v14 =	vshra.s32 v13, $0xF  }
.Ltmp5:
0xda: {  	vm1 =	veq.s32 v14, v0;
	(pc) =	sbr.rel @p3 .LBB2_8-.Ltmp5, $4  }
0xdb: {  	v14 =	vsel vm1, $0x1, v3  }
0xdc: {  	(xrf0) =	vadd.scan.msk.s32 $0xffff, v14  }
0xdd: {  	s10 =	spop (v2sf)  }
0xde: {  	s9 =	sadd.s32 $0x10, s9;
	s3 =	sadd.s32 s3, s10  }
0xdf: {  	_ =	sdelay $0x1  }
0xe0: {  	v14 =	vsel vm1, $0xFFFFFFFF, v3  }
0xe1: {  	v14 =	vadd.s32 s3, v14;
	v15, _, _ =	vpop (xrf0)  }
0xe2: {  	v14 =	vadd.s32 v15, v14  }
0xe3: {  	v13 =	vsub.s32 v13, v1  }
0xe4: {  	v13 =	vshll.u32 v13, $0xE  }
0xe5: {  	v13 =	vadd.s32 s8, v13  }
0xe6: {  	v13 =	vadd.s32 v4, v13  }
0xe7: {  	s5 =	sadd.s32 $0x10, s5;
	[tilespmem:v14+s19+$0x0] =	vst.idx.msk vm1, v13  }
0xe8: {  	v13 =	vld [tilespmem:s5+$0x0];
	_ =	sdelay $0x4  }
0xe9: {  	(v2sf) =	vpush v15, $0xF;
	v14 =	vshra.s32 v13, $0xF  }
0xea: {  	vm1 =	veq.s32 v14, v0  }
0xeb: {  	v14 =	vsel vm1, $0x1, v3  }
0xec: {  	(xrf0) =	vadd.scan.msk.s32 $0xffff, v14;
	_ =	sdelay $0x5  }
0xed: {  	v14, _, _ =	vpop (xrf0)  }
0xee: {  	(v2sf) =	vpush v14, $0xF;
	_ =	sdelay $0x4  }
0xef: {  	s15 =	spop (v2sf)  }
0xf0: {  	v15 =	vsel vm1, $0xFFFFFFFF, v3;
	s30 =	sadd.s32 s3, s15  }
0xf1: {  	v15 =	vadd.s32 s30, v15  }
0xf2: {  	v14 =	vadd.s32 v14, v15  }
0xf3: {  	v13 =	vsub.s32 v13, v1  }
0xf4: {  	v13 =	vshll.u32 v13, $0xE  }
0xf5: {  	v13 =	vadd.s32 s0, v13  }
0xf6: {  	v13 =	vadd.s32 v4, v13  }
0xf7: {  	[tilespmem:v14+s19+$0x0] =	vst.idx.msk vm1, v13  }
0xf8: {  	[tilespmem:$0x9100] =	vst v3  }
0xf9: {  	[tilespmem:$0x9110] =	vst v3;
	s31 =	spop (v2sf)  }
0xfa: {  	[tilespmem:$0x9120] =	vst v3;
	s5 =	sadd.s32 s30, s31  }
0xfb: {  	[tilespmem:$0x9130] =	vst v3;
	p3 =	slt.s32 s5, $0x1  }
.Ltmp6:
0xfc: {  	[tilespmem:$0x9140] =	vst v3;
	(pc) =	sbr.rel @p3 .LBB2_13-.Ltmp6, $4  }
0xfd: {  	[tilespmem:$0x9150] =	vst v3  }
0xfe: {  	[tilespmem:$0x9160] =	vst v3  }
0xff: {  	[tilespmem:$0x9170] =	vst v3  }
0x100: {  	[tilespmem:$0x9180] =	vst v3  }
0x101: {  	s0 =	simm.s32 $0x0  }
0x102: {  	s3 =	sand.u32 $0x7FFFFFF0, s0  }
0x103: {  	v13 =	vld [tilespmem:s3+$0x1000];
	_ =	sdelay $0x1  }
0x104: {  	s0 =	sand.u32 $0xF, s0  }
0x105: {  	v14 =	vmov s0  }
0x106: {  	vm1 =	veq.s32 v14, v4  }
0x107: {  	v13 =	vnsel vm1, $0x0, v13  }
0x108: {  	(xrf0) =	vadd.scan.msk.s32 $0xffff, v13;
	_ =	sdelay $0x5  }
0x109: {  	v13, _, _ =	vpop (xrf0)  }
0x10a: {  	(v2sf) =	vpush v13, $0xF;
	_ =	sdelay $0xe  }
0x10b: {  	s31 =	spop (v2sf)  }
0x10c: {  	s0 =	sshra.s32 s31, $0x16  }
0x10d: {  	v13 =	vmov s0;
	_ =	sdelay $0x4  }
0x10e: {  	p4 =	seq.s32 s5, $0x1;
	v14 =	vld.idx.msk [tilespmem:v13+s20+$0x0], $0xffff  }
.Ltmp7:
0x10f: {  	_ = 	snop;
	(pc) =	sbr.rel @p4 .LBB2_12-.Ltmp7, $2  }
0x110: {  	_ =	sdelay $0x2  }
0x111: {  	s0 =	simm.s32 $0x1;
	v14 =	vadd.s32 $0x1, v14  }
.LBB2_11:
0x112: {  	s3 =	sand.u32 $0x7FFFFFF0, s0;
	[tilespmem:v13+s20+$0x0] =	vst.idx.msk $0x1, v14;
	s8 =	smov.u32 s0;
	s0 =	sadd.s32 $0x1, s0  }
0x113: {  	v13 =	vld [tilespmem:s3+$0x1000];
	p4 =	seq.s32 s5, s0;
	_ =	sdelay $0x1  }
0x114: {  	s3 =	sand.u32 $0xF, s8  }
0x115: {  	v14 =	vmov s3  }
0x116: {  	vm1 =	veq.s32 v14, v4  }
0x117: {  	v13 =	vnsel vm1, $0x0, v13  }
0x118: {  	(xrf0) =	vadd.scan.msk.s32 $0xffff, v13;
	_ =	sdelay $0x5  }
0x119: {  	v13, _, _ =	vpop (xrf0)  }
0x11a: {  	(v2sf) =	vpush v13, $0xF;
	_ =	sdelay $0xe  }
0x11b: {  	s3 =	spop (v2sf)  }
0x11c: {  	s3 =	sshra.s32 s3, $0x16  }
0x11d: {  	v13 =	vmov s3;
	_ =	sdelay $0x4  }
0x11e: {  	v14 =	vld.idx.msk [tilespmem:v13+s20+$0x0], $0xffff;
	_ =	sdelay $0x1  }
.Ltmp8:
0x11f: {  	(pc) =	sbr.rel @!p4 .LBB2_11-.Ltmp8, $2  }
0x120: {  	_ =	sdelay $0x2  }
0x121: {  	v14 =	vadd.s32 $0x1, v14  }
.LBB2_12:
0x122: {  	_ =	sdelay $0x3  }
0x123: {  	[tilespmem:v13+s20+$0x0] =	vst.idx.msk $0x1, v14  }
.LBB2_13:
0x124: {  	s31 =	simm.s32 $0x0  }
0x125: {  	s3 =	simm.s32 $0x10;
	v14 =	vld [tilespmem:s31+$0x9100]  }
0x126: {  	v16 =	vld [tilespmem:s3+$0x9100];
	_ =	sdelay $0x3  }
0x127: {  	(xrf0) =	vadd.scan.msk.s32 $0xffff, v14  }
0x128: {  	(xrf0) =	vadd.scan.msk.s32 $0xffff, v16;
	_ =	sdelay $0x4  }
0x129: {  	s0 =	simm.s32 $0x20;
	v15, _, _ =	vpop (xrf0)  }
0x12a: {  	v13 =	vld [tilespmem:s0+$0x9100];
	(v2sf) =	vpush v15, $0xF;
	v17, _, _ =	vpop (xrf0)  }
0x12b: {  	(v2sf) =	vpush v17, $0xF;
	_ =	sdelay $0x3  }
0x12c: {  	s8 =	simm.s32 $0x30;
	(xrf0) =	vadd.scan.msk.s32 $0xffff, v13  }
0x12d: {  	v15 =	vsub.s32 v15, v14;
	v14 =	vld [tilespmem:s8+$0x9100];
	_ =	sdelay $0x3  }
0x12e: {  	s30 =	simm.s32 $0x0;
	s9 =	simm.s32 $0x100;
	v16 =	vsub.s32 v17, v16  }
.LBB2_14:
0x12f: {  	s10 =	sshra.s32 s9, $0x2;
	p4 =	seq.s32 s9, $0x200;
	s9 =	sadd.s32 $0x40, s9;
	(xrf0) =	vadd.scan.msk.s32 $0xffff, v14;
	v17, _, _ =	vpop (xrf0);
	v18 =	vadd.s32 s30, v15;
	v15 =	vmov v16  }
.Ltmp9:
0x130: {  	v16 =	vsub.s32 v17, v13;
	(v2sf) =	vpush v17, $0xF;
	[tilespmem:s31+$0x9200] =	vst v18;
	v13 =	vmov v14;
	v14 =	vld [tilespmem:s10+$0x9100];
	(pc) =	sbr.rel @!p4 .LBB2_14-.Ltmp9, $4  }
0x131: {  	[tilespmem:s31+$0x9300] =	vst v18;
	s31 =	smov.u32 s3;
	s3 =	smov.u32 s0;
	s0 =	smov.u32 s8  }
0x132: {  	s8 =	smov.u32 s10  }
0x133: {  	s10 =	spop (v2sf)  }
0x134: {  	s30 =	sadd.s32 s30, s10  }
0x135: {  	(xrf0) =	vadd.scan.msk.s32 $0xffff, v14;
	_ =	sdelay $0x1  }
0x136: {  	v17, _, _ =	vpop (xrf0)  }
0x137: {  	(v2sf) =	vpush v17, $0xF;
	_ =	sdelay $0x2  }
0x138: {  	v18, _, _ =	vpop (xrf0)  }
0x139: {  	(v2sf) =	vpush v18, $0xF;
	_ =	sdelay $0x6  }
0x13a: {  	s9 =	spop (v2sf);
	v15 =	vadd.s32 s30, v15  }
0x13b: {  	s9 =	sadd.s32 s30, s9;
	[tilespmem:s31+$0x9200] =	vst v15  }
0x13c: {  	[tilespmem:s31+$0x9300] =	vst v15;
	v15 =	vadd.s32 s9, v16;
	s10 =	spop (v2sf)  }
0x13d: {  	v13 =	vsub.s32 v17, v13;
	[tilespmem:s3+$0x9200] =	vst v15;
	s9 =	sadd.s32 s9, s10  }
.Ltmp10:
0x13e: {  	[tilespmem:s3+$0x9300] =	vst v15;
	v13 =	vadd.s32 s9, v13;
	s30 =	spop (v2sf);
	(pc) =	sbr.rel @p3 .LBB2_19-.Ltmp10, $4  }
0x13f: {  	v14 =	vsub.s32 v18, v14;
	[tilespmem:s0+$0x9200] =	vst v13;
	s3 =	sadd.s32 s9, s30  }
0x140: {  	[tilespmem:s0+$0x9300] =	vst v13;
	v13 =	vadd.s32 s3, v14  }
0x141: {  	[tilespmem:s8+$0x9200] =	vst v13  }
0x142: {  	[tilespmem:s8+$0x9300] =	vst v13;
	s31 =	spop (v2sf)  }
0x143: {  	s0 =	simm.s32 $0x0  }
0x144: {  	s3 =	sand.u32 $0x7FFFFFF0, s0  }
0x145: {  	v13 =	vld [tilespmem:s3+$0x1000];
	_ =	sdelay $0x1  }
0x146: {  	s0 =	sand.u32 $0xF, s0  }
0x147: {  	v14 =	vmov s0  }
0x148: {  	vm1 =	veq.s32 v14, v4  }
0x149: {  	v13 =	vnsel vm1, $0x0, v13  }
0x14a: {  	(xrf0) =	vadd.scan.msk.s32 $0xffff, v13;
	_ =	sdelay $0x5  }
0x14b: {  	v14, _, _ =	vpop (xrf0)  }
0x14c: {  	(v2sf) =	vpush v14, $0xF;
	_ =	sdelay $0xe  }
0x14d: {  	s31 =	spop (v2sf)  }
0x14e: {  	s0 =	sshra.s32 s31, $0x16  }
0x14f: {  	v13 =	vmov s0;
	_ =	sdelay $0x4  }
0x150: {  	v15 =	vld.idx.msk [tilespmem:v13+s21+$0x0], $0xffff;
	_ =	sdelay $0x2  }
0x151: {  	p3 =	sne.s32 s5, $0x1  }
.Ltmp11:
0x152: {  	_ = 	snop;
	(pc) =	sbr.rel @!p3 .LBB2_18-.Ltmp11, $3  }
0x153: {  	_ = 	snop  }
0x154: {  	v16 =	vbroadcast v14, $0xF;
	_ =	sdelay $0x1  }
0x155: {  	s0 =	simm.s32 $0x1;
	v14 =	vadd.s32 $0x1, v15;
	[tilespmem:v15+s22+$0x0] =	vst.idx.msk $0x1, v16  }
.LBB2_17:
0x156: {  	s3 =	sand.u32 $0x7FFFFFF0, s0;
	[tilespmem:v13+s21+$0x0] =	vst.idx.msk $0x1, v14;
	s8 =	smov.u32 s0  }
0x157: {  	s0 =	sadd.s32 $0x1, s0;
	v13 =	vld [tilespmem:s3+$0x1000]  }
0x158: {  	p3 =	sne.s32 s5, s0  }
0x159: {  	s3 =	sand.u32 $0xF, s8  }
0x15a: {  	v14 =	vmov s3  }
0x15b: {  	vm1 =	veq.s32 v14, v4  }
0x15c: {  	v13 =	vnsel vm1, $0x0, v13  }
0x15d: {  	(xrf0) =	vadd.scan.msk.s32 $0xffff, v13;
	_ =	sdelay $0x5  }
0x15e: {  	v14, _, _ =	vpop (xrf0)  }
0x15f: {  	(v2sf) =	vpush v14, $0xF;
	_ =	sdelay $0xe  }
0x160: {  	s3 =	spop (v2sf)  }
0x161: {  	s3 =	sshra.s32 s3, $0x16  }
0x162: {  	v13 =	vmov s3;
	_ =	sdelay $0x4  }
0x163: {  	v15 =	vld.idx.msk [tilespmem:v13+s21+$0x0], $0xffff;
	_ =	sdelay $0x3  }
.Ltmp12:
0x164: {  	(pc) =	sbr.rel @p3 .LBB2_17-.Ltmp12, $3  }
0x165: {  	_ = 	snop  }
0x166: {  	v16 =	vbroadcast v14, $0xF;
	v14 =	vadd.s32 $0x1, v15;
	_ =	sdelay $0x1  }
0x167: {  	[tilespmem:v15+s22+$0x0] =	vst.idx.msk $0x1, v16  }
.LBB2_18:
0x168: {  	_ =	sdelay $0x3  }
0x169: {  	[tilespmem:v13+s21+$0x0] =	vst.idx.msk $0x1, v14  }
.LBB2_19:
0x16a: {  	s0 =	simm.s32 @!p0 $0x800;
	s3 =	simm.s32 @!p0 $0x7A1400;
	s5 =	simm.s32 @!p0 $0x9400  }
0x16b: {  	[tilespmem:s5], [sflag:$0x1] =	stream.strided.gather @!p0 [hbm4b:s11+s0], $0x4000, s3, s0, $0x38;
	[tilespmem:$0x1D400] =	vst v63  }
0x16c: {  	s8 =	rddreg [dreg:$0x7];
	s5 =	simm.s32 @!p0 $0xD400  }
0x16d: {  	[tilespmem:s5], [sflag:$0x1] =	stream.strided.gather @!p0 [hbm4b:s8+s0], $0x4000, s3, s0, $0x38;
	[tilespmem:$0x1D400] =	vst v63  }
.Ltmp13:
0x16e: {  	_ = 	snop;
	(pc) =	sbr.rel @!p0 .LBB2_20-.Ltmp13, $4  }
0x16f: {  	s0 =	simm.s32 @!p1 $0x800  }
0x170: {  	s3 =	simm.s32 @!p1 $0x7A1400;
	s5 =	simm.s32 @!p1 $0x11400;
	s8 =	rddreg [dreg:$0x8]  }
0x171: {  	[tilespmem:s5], [sflag:$0x1] =	stream.strided.gather @!p1 [hbm4b:s8+s0], $0x4000, s3, s0, $0x38;
	[tilespmem:$0x1D400] =	vst v63  }
0x172: {  	s30 =	simm.s32 $0x0;
	s31 =	simm.s32 $0x0;
	s5 =	simm.s32 $0x0  }
.LBB2_27:
0x173: {  	s0 =	simm.s32 @!p2 $0x400  }
0x174: {  	s3 =	simm.s32 @!p2 $0x7A1400;
	s5 =	simm.s32 @!p2 $0x19400;
	s8 =	rddreg [dreg:$0x9]  }
0x175: {  	[tilespmem:s5], [sflag:$0x3] =	stream.strided.gather @!p2 [hbm4b:s8+s0], $0x2000, s3, s0, $0x38;
	[tilespmem:$0x1D400] =	vst v63  }
0x176: {  	s0 =	simm.s32 @!p2 $0x3  }
0x177: {  	_ =	swait.ge @!p2 [sflag:s0], $0x2000  }
0x178: {  	[sflag:s0] =	ssyncset.done @!p2 $0x0  }
0x179: {  	[sflag:s0] =	ssyncadd.s32 @!p2 $0xFFFFE000  }
0x17a: {  	v13 =	vld.idx.msk [tilespmem:v2+s23+$0x0], $0xffff  }
0x17b: {  	v14 =	vld.idx.msk [tilespmem:v2+s20+$0x0], $0xffff;
	_ =	sdelay $0x3  }
0x17c: {  	v13 =	vnsel vm0, $0x0, v13  }
0x17d: {  	(xrf0) =	vadd.scan.msk.s32 $0xffff, v13;
	v13 =	vnsel vm0, $0x0, v14  }
0x17e: {  	(xrf0) =	vadd.scan.msk.s32 $0xffff, v13;
	_ =	sdelay $0x4  }
0x17f: {  	v13, _, _ =	vpop (xrf0)  }
0x180: {  	(v2sf) =	vpush v13, $0xF;
	v13, _, _ =	vpop (xrf0)  }
0x181: {  	(v2sf) =	vpush v13, $0xF;
	_ =	sdelay $0xd  }
0x182: {  	s3 =	spop (v2sf)  }
0x183: {  	s0 =	spop (v2sf)  }
0x184: {  	p3 =	slt.s32 s0, $0x1  }
.Ltmp14:
0x185: {  	_ = 	snop;
	(pc) =	sbr.rel @p3 .LBB2_34-.Ltmp14, $1  }
0x186: {  	_ =	sdelay $0x3  }
0x187: {  	s5 =	sadd.s32 $0xFFFFFFFF, s0  }
0x188: {  	p4 =	sne.s32 s5, $0x0  }
.Ltmp15:
0x189: {  	_ = 	snop;
	(pc) =	sbr.rel @!p4 .LBB2_29-.Ltmp15, $2  }
0x18a: {  	_ =	sdelay $0x2  }
0x18b: {  	s0 =	sshll.u32 s31, $0x7;
	p3 =	por $0x0, $0x0  }
0x18c: {  	s8 =	sand.u32 $0xFFFFFFF0, s3  }
0x18d: {  	v13 =	vld [tilespmem:s8+$0x5080];
	_ =	sdelay $0x1  }
0x18e: {  	s10 =	sand.u32 $0xF, s3  }
0x18f: {  	v14 =	vmov s10  }
0x190: {  	vm1 =	veq.s32 v14, v4  }
0x191: {  	v13 =	vnsel vm1, $0x0, v13  }
0x192: {  	(xrf0) =	vadd.scan.msk.s32 $0xffff, v13;
	_ =	sdelay $0x5  }
0x193: {  	v13, _, _ =	vpop (xrf0)  }
0x194: {  	(v2sf) =	vpush v13, $0xF;
	_ =	sdelay $0xe  }
0x195: {  	s12 =	spop (v2sf)  }
0x196: {  	s9 =	sshra.s32 s12, $0xE  }
0x197: {  	s9 =	ssub.s32 s9, s1  }
0x198: {  	v13 =	vadd.s32 s9, v5;
	_ =	sdelay $0x4  }
0x199: {  	v13 =	vld.idx.msk [tilespmem:v13+s24+$0x0], $0xffff  }
0x19a: {  	v14 =	vadd.s32 s9, v6;
	_ =	sdelay $0x2  }
0x19b: {  	s10 =	sand.u32 $0x1F80, s0  }
0x19c: {  	[tilespmem:s10+$0x1B400] =	vst v13  }
0x19d: {  	v13 =	vld.idx.msk [tilespmem:v14+s24+$0x0], $0xffff  }
0x19e: {  	v14 =	vadd.s32 s9, v7;
	_ =	sdelay $0x3  }
0x19f: {  	[tilespmem:s10+$0x1B410] =	vst v13  }
0x1a0: {  	v13 =	vld.idx.msk [tilespmem:v14+s24+$0x0], $0xffff  }
0x1a1: {  	v14 =	vadd.s32 s9, v8;
	_ =	sdelay $0x3  }
0x1a2: {  	[tilespmem:s10+$0x1B420] =	vst v13  }
0x1a3: {  	v13 =	vld.idx.msk [tilespmem:v14+s24+$0x0], $0xffff  }
0x1a4: {  	s31 =	sadd.s32 $0x1, s31;
	s8 =	sadd.s32 $0xFFFFFFFF, s5  }
0x1a5: {  	s3 =	sadd.s32 $0x1, s3;
	p5 =	slt.s32 s31, $0x41;
	p4 =	sne.s32 s8, $0x0  }
.Ltmp16:
0x1a6: {  	p3 =	sgt.s32 s31, $0x40;
	s13 =	sshll.u32 s12, $0x3;
	(pc) =	sbr.rel @!p4 .LBB2_31-.Ltmp16, $4  }
0x1a7: {  	s0 =	sadd.s32 $0x80, s0;
	s15 =	sand.u32 $0x1FFF8, s13;
	s9 =	simm.s32 $0x1  }
0x1a8: {  	s12 =	sadd.s32 $0x1B400, s10;
	s5 =	sadd.s32 s6, s15;
	s9 =	simm.s32 @!p3 $0x0;
	[tilespmem:s10+$0x1B430] =	vst v13  }
0x1a9: {  	[hbm4b:s5+s7] =	stream.linear.scatter [tilespmem:s12], [sflag:$0x2], $0x40, $0x38;
	[tilespmem:$0x1D400] =	vst v63  }
0x1aa: {  	p3 =	por $0x1, $0x1;
	s10 =	simm.s32 @!p5 $0x2;
	s5 =	smov.u32 s30  }
.LBB2_32:
0x1ab: {  	s12 =	sand.u32 $0xFFFFFFF0, s3;
	_ =	swait.ge @!p5 [sflag:s10], $0x40;
	s5 =	sadd.s32 s9, s5  }
0x1ac: {  	s8 =	sadd.s32 $0xFFFFFFFF, s8;
	[sflag:s10] =	ssyncset.done @!p5 $0x0  }
0x1ad: {  	p4 =	sne.s32 s8, $0x0;
	[sflag:s10] =	ssyncadd.s32 @!p5 $0xFFFFFFC0  }
0x1ae: {  	s9 =	sand.u32 $0xF, s3;
	v13 =	vld [tilespmem:s12+$0x5080]  }
0x1af: {  	v14 =	vmov s9  }
0x1b0: {  	vm1 =	veq.s32 v14, v4;
	_ =	sdelay $0x2  }
0x1b1: {  	v13 =	vnsel vm1, $0x0, v13  }
0x1b2: {  	(xrf0) =	vadd.scan.msk.s32 $0xffff, v13;
	_ =	sdelay $0x5  }
0x1b3: {  	v13, _, _ =	vpop (xrf0)  }
0x1b4: {  	(v2sf) =	vpush v13, $0xF;
	_ =	sdelay $0xe  }
0x1b5: {  	s9 =	spop (v2sf)  }
0x1b6: {  	s10 =	sshra.s32 s9, $0xE;
	s9 =	sshll.u32 s9, $0x3  }
0x1b7: {  	s10 =	ssub.s32 s10, s1  }
0x1b8: {  	v13 =	vadd.s32 s10, v5;
	_ =	sdelay $0x4  }
0x1b9: {  	v14 =	vadd.s32 s10, v6;
	v13 =	vld.idx.msk [tilespmem:v13+s24+$0x0], $0xffff;
	_ =	sdelay $0x2  }
0x1ba: {  	s12 =	sand.u32 $0x1F80, s0;
	_ =	sdelay $0x2  }
0x1bb: {  	[tilespmem:s12+$0x1B400] =	vst v13  }
0x1bc: {  	v13 =	vld.idx.msk [tilespmem:v14+s24+$0x0], $0xffff;
	v14 =	vadd.s32 s10, v7;
	_ =	sdelay $0x5  }
0x1bd: {  	[tilespmem:s12+$0x1B410] =	vst v13  }
0x1be: {  	v13 =	vld.idx.msk [tilespmem:v14+s24+$0x0], $0xffff;
	v14 =	vadd.s32 s10, v8;
	_ =	sdelay $0x5  }
0x1bf: {  	[tilespmem:s12+$0x1B420] =	vst v13  }
0x1c0: {  	v13 =	vld.idx.msk [tilespmem:v14+s24+$0x0], $0xffff;
	_ =	sdelay $0x2  }
.Ltmp17:
0x1c1: {  	s31 =	sadd.s32 $0x1, s31;
	s9 =	sand.u32 $0x1FFF8, s9;
	(pc) =	sbr.rel @p4 .LBB2_32-.Ltmp17, $4  }
0x1c2: {  	p5 =	slt.s32 s31, $0x41;
	s13 =	sadd.s32 $0x1B400, s12;
	s15 =	sadd.s32 s6, s9  }
0x1c3: {  	p6 =	sgt.s32 s31, $0x40;
	s9 =	simm.s32 $0x1;
	s10 =	simm.s32 @!p5 $0x2  }
0x1c4: {  	s3 =	sadd.s32 $0x1, s3;
	s0 =	sadd.s32 $0x80, s0;
	s9 =	simm.s32 @!p6 $0x0;
	[tilespmem:s12+$0x1B430] =	vst v13  }
0x1c5: {  	[hbm4b:s15+s7] =	stream.linear.scatter [tilespmem:s13], [sflag:$0x2], $0x40, $0x38;
	[tilespmem:$0x1D400] =	vst v63  }
.LBB2_33:
0x1c6: {  	p4 =	por p5, !p3  }
0x1c7: {  	_ =	swait.ge @!p4 [sflag:s10], $0x40  }
0x1c8: {  	[sflag:s10] =	ssyncset.done @!p4 $0x0  }
0x1c9: {  	s8 =	sand.u32 $0xFFFFFFF0, s3;
	[sflag:s10] =	ssyncadd.s32 @!p4 $0xFFFFFFC0  }
0x1ca: {  	v13 =	vld [tilespmem:s8+$0x5080];
	_ =	sdelay $0x1  }
0x1cb: {  	s10 =	sand.u32 $0xF, s3  }
0x1cc: {  	v14 =	vmov s10  }
0x1cd: {  	vm1 =	veq.s32 v14, v4  }
0x1ce: {  	v13 =	vnsel vm1, $0x0, v13  }
0x1cf: {  	(xrf0) =	vadd.scan.msk.s32 $0xffff, v13;
	_ =	sdelay $0x5  }
0x1d0: {  	v13, _, _ =	vpop (xrf0)  }
0x1d1: {  	(v2sf) =	vpush v13, $0xF;
	_ =	sdelay $0xe  }
0x1d2: {  	s12 =	spop (v2sf)  }
0x1d3: {  	s13 =	sshra.s32 s12, $0xE  }
0x1d4: {  	s8 =	ssub.s32 s13, s1  }
0x1d5: {  	v13 =	vadd.s32 s8, v5;
	_ =	sdelay $0x4  }
0x1d6: {  	v13 =	vld.idx.msk [tilespmem:v13+s24+$0x0], $0xffff  }
0x1d7: {  	v14 =	vadd.s32 s8, v6;
	_ =	sdelay $0x2  }
0x1d8: {  	s0 =	sand.u32 $0x1F80, s0  }
0x1d9: {  	[tilespmem:s0+$0x1B400] =	vst v13  }
0x1da: {  	v13 =	vld.idx.msk [tilespmem:v14+s24+$0x0], $0xffff  }
0x1db: {  	v14 =	vadd.s32 s8, v7;
	_ =	sdelay $0x3  }
0x1dc: {  	[tilespmem:s0+$0x1B410] =	vst v13  }
0x1dd: {  	v13 =	vld.idx.msk [tilespmem:v14+s24+$0x0], $0xffff  }
0x1de: {  	v14 =	vadd.s32 s8, v8;
	_ =	sdelay $0x3  }
0x1df: {  	[tilespmem:s0+$0x1B420] =	vst v13  }
0x1e0: {  	v13 =	vld.idx.msk [tilespmem:v14+s24+$0x0], $0xffff;
	_ =	sdelay $0x2  }
0x1e1: {  	s31 =	sadd.s32 $0x1, s31;
	s3 =	sshll.u32 s12, $0x3  }
0x1e2: {  	s5 =	sadd.s32 @p3 s9, s5;
	p4 =	slt.s32 s31, $0x41;
	s3 =	sand.u32 $0x1FFF8, s3  }
0x1e3: {  	s15 =	sadd.s32 $0x1B400, s0;
	s9 =	simm.s32 @!p4 $0x2;
	s3 =	sadd.s32 s6, s3;
	[tilespmem:s0+$0x1B430] =	vst v13  }
0x1e4: {  	[hbm4b:s3+s7] =	stream.linear.scatter [tilespmem:s15], [sflag:$0x2], $0x40, $0x38;
	[tilespmem:$0x1D400] =	vst v63  }
0x1e5: {  	p5 =	sgt.s32 s31, $0x40;
	s0 =	simm.s32 $0x1;
	_ =	swait.ge @!p4 [sflag:s9], $0x40  }
0x1e6: {  	s30 =	smov.u32 @p3 s5;
	s0 =	simm.s32 @!p5 $0x0;
	[sflag:s9] =	ssyncset.done @!p4 $0x0  }
0x1e7: {  	s30 =	sadd.s32 s0, s30;
	[sflag:s9] =	ssyncadd.s32 @!p4 $0xFFFFFFC0  }
.LBB2_34:
0x1e8: {  	s0 =	ssub.s32 s31, s30  }
0x1e9: {  	p3 =	slt.s32 s0, $0x1  }
.Ltmp18:
0x1ea: {  	_ = 	snop;
	(pc) =	sbr.rel @p3 .LBB2_38-.Ltmp18, $1  }
0x1eb: {  	_ =	sdelay $0x3  }
0x1ec: {  	p3 =	sne.s32 s0, $0x1  }
.Ltmp19:
0x1ed: {  	_ = 	snop;
	(pc) =	sbr.rel @!p3 .LBB2_37-.Ltmp19, $3  }
0x1ee: {  	_ =	sdelay $0x1  }
0x1ef: {  	_ =	swait.ge [sflag:s26], $0x40  }
0x1f0: {  	s0 =	sadd.s32 $0xFFFFFFFF, s0;
	[sflag:s26] =	ssyncset.done $0x0  }
.LBB2_36:
0x1f1: {  	p3 =	sne.s32 s0, $0x1;
	s0 =	sadd.s32 $0xFFFFFFFF, s0;
	[sflag:s26] =	ssyncadd.s32 $0xFFFFFFC0  }
.Ltmp20:
0x1f2: {  	(pc) =	sbr.rel @p3 .LBB2_36-.Ltmp20, $3  }
0x1f3: {  	_ =	sdelay $0x1  }
0x1f4: {  	_ =	swait.ge [sflag:s26], $0x40  }
0x1f5: {  	[sflag:s26] =	ssyncset.done $0x0  }
.Ltmp21:
0x1f6: {  	_ = 	snop;
	(pc) =	sbr.rel .LBB2_37-.Ltmp21, $1  }
0x1f7: {  	_ =	sdelay $0x3  }
.LBB2_22:
0x1f8: {  	_ = 	snop  }
.LBB2_25:
0x1f9: {  	p3 =	por p5, !p3  }
0x1fa: {  	[sflag:s9] =	ssyncset.done @!p3 $0x0  }
0x1fb: {  	s8 =	sand.u32 $0xFFFFFFF0, s3;
	[sflag:s9] =	ssyncadd.s32 @!p3 $0xFFFFFFC0  }
0x1fc: {  	v17 =	vld [tilespmem:s8+$0x5080];
	_ =	sdelay $0x1  }
0x1fd: {  	s10 =	sand.u32 $0xF, s3  }
0x1fe: {  	v18 =	vmov s10  }
0x1ff: {  	vm1 =	veq.s32 v18, v4  }
0x200: {  	v17 =	vnsel vm1, $0x0, v17  }
0x201: {  	(xrf0) =	vadd.scan.msk.s32 $0xffff, v17;
	_ =	sdelay $0x5  }
0x202: {  	v17, _, _ =	vpop (xrf0)  }
0x203: {  	(v2sf) =	vpush v17, $0xF;
	_ =	sdelay $0xe  }
0x204: {  	s12 =	spop (v2sf)  }
0x205: {  	s13 =	sshrl.u32 s12, $0xE  }
0x206: {  	s8 =	sand.u32 $0xFF, s13  }
0x207: {  	v62 =	vmov s8  }
0x208: {  	v63 =	vand.u32 $0x7F, v62;
	v17 =	vshll.u32 v62, $0x3  }
0x209: {  	v17 =	vand.u32 $0x400, v17;
	v15 =	vor.u32 v15, v63  }
0x20a: {  	v15 =	vor.u32 v17, v15;
	_ =	sdelay $0x4  }
0x20b: {  	v16 =	vor.u32 v16, v63;
	v15 =	vld.idx.msk [tilespmem:v15+s28+$0x0], $0xffff  }
0x20c: {  	v16 =	vor.u32 v17, v16;
	_ =	sdelay $0x2  }
0x20d: {  	s0 =	sand.u32 $0x1F80, s0  }
0x20e: {  	[tilespmem:s0+$0x1B400] =	vst v15  }
0x20f: {  	v14 =	vor.u32 v14, v63;
	v15 =	vld.idx.msk [tilespmem:v16+s28+$0x0], $0xffff  }
0x210: {  	v14 =	vor.u32 v17, v14;
	_ =	sdelay $0x3  }
0x211: {  	[tilespmem:s0+$0x1B410] =	vst v15  }
0x212: {  	v13 =	vor.u32 v13, v63;
	v14 =	vld.idx.msk [tilespmem:v14+s28+$0x0], $0xffff  }
0x213: {  	v13 =	vor.u32 v17, v13;
	_ =	sdelay $0x3  }
0x214: {  	[tilespmem:s0+$0x1B420] =	vst v14  }
0x215: {  	v13 =	vld.idx.msk [tilespmem:v13+s28+$0x0], $0xffff;
	_ =	sdelay $0x2  }
0x216: {  	s31 =	sadd.s32 $0x1, s31;
	s3 =	sshll.u32 s12, $0x3  }
0x217: {  	p3 =	slt.s32 s31, $0x41;
	s3 =	sand.u32 $0x1FFF8, s3  }
0x218: {  	s15 =	sadd.s32 $0x1B400, s0;
	s3 =	sadd.s32 s6, s3;
	[tilespmem:s0+$0x1B430] =	vst v13;
	s0 =	simm.s32 @!p3 $0x2  }
0x219: {  	[hbm4b:s3+s7] =	stream.linear.scatter [tilespmem:s15], [sflag:$0x2], $0x40, $0x38;
	[tilespmem:$0x1D400] =	vst v63  }
0x21a: {  	p4 =	sgt.s32 s31, $0x40;
	s3 =	simm.s32 $0x1;
	_ =	swait.ge @!p3 [sflag:s0], $0x40  }
0x21b: {  	s3 =	simm.s32 @!p4 $0x0;
	[sflag:s0] =	ssyncset.done @!p3 $0x0  }
0x21c: {  	s30 =	sadd.s32 s3, s30;
	[sflag:s0] =	ssyncadd.s32 @!p3 $0xFFFFFFC0  }
.LBB2_26:
0x21d: {  	s5 =	sadd.s32 $0x1, s5  }
0x21e: {  	p3 =	sne.s32 s5, s16  }
.Ltmp22:
0x21f: {  	_ = 	snop;
	(pc) =	sbr.rel @!p3 .LBB2_27-.Ltmp22, $1  }
0x220: {  	_ =	sdelay $0x3  }
.LBB2_20:
0x221: {  	s0 =	sadd.s32 $0x3, s5  }
0x222: {  	p3 =	sge.u32 s0, s2  }
0x223: {  	s3 =	sshll.u32 @!p3 s0, $0xB  }
0x224: {  	s0 =	sshll.u32 @!p3 s0, $0xE;
	s3 =	sadd.s32 @!p3 s14, s3  }
0x225: {  	s8 =	simm.s32 @!p3 $0x800;
	s0 =	sand.u32 @!p3 $0xC000, s0;
	s3 =	sshrl.u32 @!p3 s3, $0x3  }
0x226: {  	v13 =	vmov s5;
	s9 =	simm.s32 @!p3 $0x7A1400;
	s0 =	sadd.s32 @!p3 $0x9400, s0;
	s3 =	sadd.s32 @!p3 s4, s3  }
0x227: {  	[tilespmem:s0], [sflag:$0x1] =	stream.strided.gather @!p3 [hbm4b:s3+s8], $0x4000, s9, s8, $0x38;
	[tilespmem:$0x1D400] =	vst v63  }
0x228: {  	_ =	swait.ge [sflag:s25], $0x4000  }
0x229: {  	[sflag:s25] =	ssyncset.done $0x0  }
0x22a: {  	[sflag:s25] =	ssyncadd.s32 $0xFFFFC000  }
0x22b: {  	v14 =	vld.idx.msk [tilespmem:v13+s23+$0x0], $0xffff  }
0x22c: {  	v13 =	vld.idx.msk [tilespmem:v13+s20+$0x0], $0xffff;
	_ =	sdelay $0x3  }
0x22d: {  	v14 =	vnsel vm0, $0x0, v14  }
0x22e: {  	v13 =	vnsel vm0, $0x0, v13;
	(xrf0) =	vadd.scan.msk.s32 $0xffff, v14  }
0x22f: {  	(xrf0) =	vadd.scan.msk.s32 $0xffff, v13;
	_ =	sdelay $0x4  }
0x230: {  	v13, _, _ =	vpop (xrf0)  }
0x231: {  	(v2sf) =	vpush v13, $0xF;
	v13, _, _ =	vpop (xrf0)  }
0x232: {  	(v2sf) =	vpush v13, $0xF;
	_ =	sdelay $0xd  }
0x233: {  	s3 =	spop (v2sf)  }
0x234: {  	s0 =	spop (v2sf)  }
0x235: {  	p3 =	slt.s32 s0, $0x1  }
.Ltmp23:
0x236: {  	_ = 	snop;
	(pc) =	sbr.rel @p3 .LBB2_26-.Ltmp23, $1  }
0x237: {  	_ =	sdelay $0x3  }
0x238: {  	s8 =	sand.u32 $0x3, s5  }
0x239: {  	s9 =	sshll.u32 s8, $0xE;
	s8 =	sadd.s32 $0xFFFFFFFF, s0  }
0x23a: {  	p4 =	sne.s32 s8, $0x0  }
.Ltmp24:
0x23b: {  	_ = 	snop;
	(pc) =	sbr.rel @!p4 .LBB2_22-.Ltmp24, $3  }
0x23c: {  	_ =	sdelay $0x1  }
0x23d: {  	v15 =	vor.u32 s9, v9  }
0x23e: {  	p3 =	por $0x0, $0x0;
	s0 =	sshll.u32 s31, $0x7;
	v16 =	vor.u32 s9, v10;
	v14 =	vor.u32 s9, v11;
	v13 =	vor.u32 s9, v12  }
0x23f: {  	s9 =	sand.u32 $0xFFFFFFF0, s3  }
0x240: {  	v17 =	vld [tilespmem:s9+$0x5080];
	_ =	sdelay $0x1  }
0x241: {  	s12 =	sand.u32 $0xF, s3  }
0x242: {  	v18 =	vmov s12  }
0x243: {  	vm1 =	veq.s32 v18, v4  }
0x244: {  	v17 =	vnsel vm1, $0x0, v17  }
0x245: {  	(xrf0) =	vadd.scan.msk.s32 $0xffff, v17;
	_ =	sdelay $0x5  }
0x246: {  	v17, _, _ =	vpop (xrf0)  }
0x247: {  	(v2sf) =	vpush v17, $0xF;
	_ =	sdelay $0xe  }
0x248: {  	s13 =	spop (v2sf)  }
0x249: {  	s10 =	sshrl.u32 s13, $0xE  }
0x24a: {  	s10 =	sand.u32 $0xFF, s10  }
0x24b: {  	v17 =	vmov s10  }
0x24c: {  	v18 =	vand.u32 $0x7F, v17;
	v17 =	vshll.u32 v17, $0x3  }
0x24d: {  	v17 =	vand.u32 $0x400, v17;
	v19 =	vor.u32 v15, v18  }
0x24e: {  	v19 =	vor.u32 v17, v19;
	_ =	sdelay $0x4  }
0x24f: {  	v20 =	vor.u32 v16, v18;
	v19 =	vld.idx.msk [tilespmem:v19+s28+$0x0], $0xffff  }
0x250: {  	v20 =	vor.u32 v17, v20;
	_ =	sdelay $0x2  }
0x251: {  	s15 =	sand.u32 $0x1F80, s0  }
0x252: {  	[tilespmem:s15+$0x1B400] =	vst v19  }
0x253: {  	v19 =	vor.u32 v14, v18;
	v20 =	vld.idx.msk [tilespmem:v20+s28+$0x0], $0xffff  }
0x254: {  	v19 =	vor.u32 v17, v19;
	_ =	sdelay $0x3  }
0x255: {  	[tilespmem:s15+$0x1B410] =	vst v20  }
0x256: {  	v18 =	vor.u32 v13, v18;
	v19 =	vld.idx.msk [tilespmem:v19+s28+$0x0], $0xffff  }
0x257: {  	v17 =	vor.u32 v17, v18;
	_ =	sdelay $0x3  }
0x258: {  	[tilespmem:s15+$0x1B420] =	vst v19  }
0x259: {  	v17 =	vld.idx.msk [tilespmem:v17+s28+$0x0], $0xffff  }
0x25a: {  	s8 =	sadd.s32 $0xFFFFFFFF, s8;
	s31 =	sadd.s32 $0x1, s31;
	s0 =	sadd.s32 $0x80, s0  }
0x25b: {  	s3 =	sadd.s32 $0x1, s3;
	p4 =	sne.s32 s8, $0x0;
	s12 =	sadd.s32 $0x1B400, s15  }
.Ltmp25:
0x25c: {  	p5 =	slt.s32 s31, $0x41;
	s9 =	sshll.u32 s13, $0x3;
	(pc) =	sbr.rel @!p4 .LBB2_25-.Ltmp25, $4  }
0x25d: {  	p3 =	sgt.s32 s31, $0x40;
	s9 =	sand.u32 $0x1FFF8, s9;
	s10 =	simm.s32 $0x1  }
0x25e: {  	s13 =	sadd.s32 s6, s9;
	s9 =	simm.s32 @!p5 $0x2;
	s10 =	simm.s32 @!p3 $0x0;
	[tilespmem:s15+$0x1B430] =	vst v17  }
0x25f: {  	[hbm4b:s13+s7] =	stream.linear.scatter [tilespmem:s12], [sflag:$0x2], $0x40, $0x38;
	[tilespmem:$0x1D400] =	vst v63  }
0x260: {  	p3 =	por $0x1, $0x1;
	s30 =	sadd.s32 s10, s30;
	_ =	swait.ge @!p5 [sflag:s9], $0x40  }
.LBB2_24:
0x261: {  	s8 =	sadd.s32 $0xFFFFFFFF, s8;
	s10 =	sand.u32 $0xFFFFFFF0, s3;
	[sflag:s9] =	ssyncset.done @!p5 $0x0  }
0x262: {  	p4 =	sne.s32 s8, $0x0;
	[sflag:s9] =	ssyncadd.s32 @!p5 $0xFFFFFFC0  }
0x263: {  	v17 =	vld [tilespmem:s10+$0x5080]  }
0x264: {  	s9 =	sand.u32 $0xF, s3  }
0x265: {  	v18 =	vmov s9  }
0x266: {  	vm1 =	veq.s32 v18, v4;
	_ =	sdelay $0x1  }
0x267: {  	v17 =	vnsel vm1, $0x0, v17  }
0x268: {  	(xrf0) =	vadd.scan.msk.s32 $0xffff, v17;
	_ =	sdelay $0x5  }
0x269: {  	v17, _, _ =	vpop (xrf0)  }
0x26a: {  	(v2sf) =	vpush v17, $0xF;
	_ =	sdelay $0xe  }
0x26b: {  	s9 =	spop (v2sf)  }
0x26c: {  	s10 =	sshrl.u32 s9, $0xE;
	s9 =	sshll.u32 s9, $0x3  }
0x26d: {  	s10 =	sand.u32 $0xFF, s10  }
0x26e: {  	v17 =	vmov s10  }
0x26f: {  	v18 =	vand.u32 $0x7F, v17;
	v17 =	vshll.u32 v17, $0x3  }
0x270: {  	v17 =	vand.u32 $0x400, v17;
	v19 =	vor.u32 v15, v18;
	v20 =	vor.u32 v14, v18  }
0x271: {  	v21 =	vor.u32 v13, v18;
	v19 =	vor.u32 v17, v19;
	v20 =	vor.u32 v17, v20  }
0x272: {  	v18 =	vor.u32 v16, v18;
	v21 =	vor.u32 v17, v21  }
0x273: {  	v17 =	vor.u32 v17, v18;
	_ =	sdelay $0x2  }
0x274: {  	v18 =	vld.idx.msk [tilespmem:v19+s28+$0x0], $0xffff;
	_ =	sdelay $0x3  }
0x275: {  	s10 =	sand.u32 $0x1F80, s0;
	_ =	sdelay $0x1  }
0x276: {  	[tilespmem:s10+$0x1B400] =	vst v18  }
0x277: {  	v17 =	vld.idx.msk [tilespmem:v17+s28+$0x0], $0xffff;
	_ =	sdelay $0x5  }
0x278: {  	[tilespmem:s10+$0x1B410] =	vst v17  }
0x279: {  	v17 =	vld.idx.msk [tilespmem:v20+s28+$0x0], $0xffff;
	_ =	sdelay $0x5  }
0x27a: {  	[tilespmem:s10+$0x1B420] =	vst v17  }
0x27b: {  	v17 =	vld.idx.msk [tilespmem:v21+s28+$0x0], $0xffff;
	_ =	sdelay $0x2  }
0x27c: {  	s31 =	sadd.s32 $0x1, s31;
	s9 =	sand.u32 $0x1FFF8, s9  }
0x27d: {  	p5 =	slt.s32 s31, $0x41;
	s12 =	sadd.s32 $0x1B400, s10  }
.Ltmp26:
0x27e: {  	p6 =	sgt.s32 s31, $0x40;
	s13 =	sadd.s32 s6, s9;
	(pc) =	sbr.rel @p4 .LBB2_24-.Ltmp26, $4  }
0x27f: {  	[tilespmem:s10+$0x1B430] =	vst v17;
	s10 =	simm.s32 $0x1  }
0x280: {  	s9 =	simm.s32 @!p5 $0x2;
	s0 =	sadd.s32 $0x80, s0;
	s10 =	simm.s32 @!p6 $0x0  }
0x281: {  	[hbm4b:s13+s7] =	stream.linear.scatter [tilespmem:s12], [sflag:$0x2], $0x40, $0x38;
	[tilespmem:$0x1D400] =	vst v63  }
0x282: {  	s3 =	sadd.s32 $0x1, s3;
	s30 =	sadd.s32 s10, s30;
	_ =	swait.ge @!p5 [sflag:s9], $0x40  }
.Ltmp27:
0x283: {  	_ = 	snop;
	(pc) =	sbr.rel .LBB2_25-.Ltmp27, $1  }
0x284: {  	_ =	sdelay $0x3  }
.LBB2_29:
.Ltmp28:
0x285: {  	(pc) =	sbr.rel .LBB2_33-.Ltmp28, $2  }
0x286: {  	_ =	sdelay $0x2  }
0x287: {  	s5 =	smov.u32 s30  }
.LBB2_31:
.Ltmp29:
0x288: {  	(pc) =	sbr.rel .LBB2_33-.Ltmp29, $2  }
0x289: {  	_ =	sdelay $0x2  }
0x28a: {  	s5 =	smov.u32 s30  }
.LBB2_39:
0x28b: {  	_ =	sfence.sel $0x180000  }
0x28c: {  	[bflag:$0x0] =	sbarrier.arrive $0xFFFF  }
0x28d: {  	_ =	strace $0x90000047  }
0x28e: {  	s0 =	stileid.u32;
	[bflag:$0x2] =	sbarrier.arrive $0xFFFF  }
0x28f: {  	p0 =	sne.s32 s0, $0x0;
	s0 =	rddreg [dreg:$0x3]  }
0x290: {  	s0 =	sadd.s32 @!p0 $0x100000, s0  }
0x291: {  	[sflag:s0] =	ssyncadd.tile.s32 @!p0 $0x1;
	_ =	shalt  }
.Lfunc_end2:
_tile_overlayer_lowered:
.L_overlay_start_2:
0x292: {  	(tag) =	ssettag $0x2  }
0x293: {  	s0 =	rddreg [dreg:$0x0];
	s2 =	stileid.u32  }
0x294: {  	s1 =	rddreg [dreg:$0x1];
	p0 =	sne.s32 s2, $0x0  }
0x295: {  	s3 =	rddreg [dreg:$0x2];
	[bflag:$0x3] =	sbarrier.arrive $0xFFFF;
	s2 =	simm.s32 @!p0 $0x1C03  }
0x296: {  	[timem:s3], [sflag:s2] =	dma.local @!p0 [hbm:s0], s1  }
0x297: {  	s0 =	simm.s32 @!p0 $0x3  }
0x298: {  	_ =	swait.ge @!p0 [sflag:s0], s1  }
0x299: {  	s1 =	ssub.s32 @!p0 $0x0, s1;
	[sflag:s0] =	ssyncset.done @!p0 $0x0  }
0x29a: {  	[sflag:s0] =	ssyncadd.s32 @!p0 s1  }
0x29b: {  	[bflag:$0x3] =	sbarrier.arrive $0xFFFF  }
0x29c: {  	_ =	shalt  }

</sc_bundles>
